<compile_context>
chip_gen: v7x
topology: tpu7x:2x2x1
jax: 0.10.2.dev20260603
libtpu: 0.0.44.dev20260713+nightly
codegen_flags: <defaults>
</compile_context>

<pallas_src>
import functools

import jax
import jax.numpy as jnp
from jax import lax
from jax.experimental import pallas as pl
from jax.experimental.pallas import tpu as pltpu
from jax.experimental.pallas import tpu_sc as plsc

_TEMP = 2.0
_PROB_MSK = (0, 2, 3)
_ENT_TEMP = 0.01

_B, _T, _F = 8, 1024, 512
_NTOK = _B * _T
_NSLC = _F // 16

_NC, _NS = 2, 16
_NW = _NC * _NS
_RPW = _NTOK // _NW
_CH = 32
_NCH = _RPW // _CH
_NCH2 = _NCH // 2

_TBLK = 128
_NSTEP = _T // _TBLK


def _sc_body(x_hbm, oh_hbm, k_hbm, cnt_hbm,
             in0, in1, out0, out1, kvbuf, cntv,
             isem0, isem1, osem0, osem1):
    cid = lax.axis_index("c")
    sid = lax.axis_index("s")
    wid = sid * _NC + cid
    li = lax.iota(jnp.int32, 16)
    msk0 = (li == 0) | (li == 2) | (li == 3)
    zero16 = jnp.zeros((16,), jnp.float32)
    ones16 = jnp.ones((16,), jnp.float32)
    lane0 = li == 0
    row0 = wid * _RPW

    def _zrow(r, carry):
        for j in range(_NSLC):
            out0[r, pl.ds(j * 16, 16)] = zero16
            out1[r, pl.ds(j * 16, 16)] = zero16
        return carry

    lax.fori_loop(0, _CH, _zrow, 0)
    for j in range(_NSLC):
        cntv[pl.ds(j * 16, 16)] = zero16

    def _rows(c, inb, outb):
        def _row(r, carry):
            nq, qs = 4, _NSLC // 4
            vmax = [jnp.full((16,), -3.0e38, jnp.float32) for _ in range(nq)]
            vidx = [jnp.zeros((16,), jnp.int32) for _ in range(nq)]
            for q in range(nq):
                for t in range(qs):
                    j = q * qs + t
                    v = inb[r, pl.ds(j * 16, 16)]
                    if j == 0:
                        v = jnp.where(msk0, -3.0e38, v)
                    cmp = v > vmax[q]
                    vmax[q] = jnp.where(cmp, v, vmax[q])
                    vidx[q] = jnp.where(cmp, jnp.full((16,), j, jnp.int32),
                                        vidx[q])

            def _merge(a, b):
                (va, ia), (vb, ib) = a, b
                c = vb > va
                return jnp.where(c, vb, va), jnp.where(c, ib, ia)

            vm, vi = _merge(_merge((vmax[0], vidx[0]), (vmax[1], vidx[1])),
                            _merge((vmax[2], vidx[2]), (vmax[3], vidx[3])))
            mv = vm
            for s in (1, 2, 4, 8):
                mv = jnp.maximum(
                    mv, mv.at[(li + s) & 15].get(mode="promise_in_bounds"))
            g = jnp.where(vm == mv, vi * 16 + li, 1 << 20)
            for s in (1, 2, 4, 8):
                g = jnp.minimum(
                    g, g.at[(li + s) & 15].get(mode="promise_in_bounds"))
            cur = plsc.load_gather(cntv, [g])
            plsc.store_scatter(cntv, [g], cur + 1.0, mask=lane0)
            plsc.store_scatter(kvbuf, [jnp.broadcast_to(c * _CH + r, (16,))],
                               g, mask=lane0)
            plsc.store_scatter(outb, [jnp.broadcast_to(r, (16,)), g],
                               ones16, mask=lane0)
            return carry

        lax.fori_loop(0, _CH, _row, 0)

    pltpu.async_copy(x_hbm.at[pl.ds(row0, _CH)], in0, isem0)
    pltpu.async_copy(x_hbm.at[pl.ds(row0 + _CH, _CH)], in1, isem1)

    bufs = ((in0, out0, isem0, osem0), (in1, out1, isem1, osem1))

    def _outer(c0, carry):
        for b in range(2):
            inb, outb, isem, osem = bufs[b]
            c = c0 * 2 + b
            base = row0 + c * _CH
            pltpu.make_async_copy(x_hbm.at[pl.ds(base, _CH)], inb, isem).wait()

            @pl.when(c0 > 0)
            def _drain_and_clear():
                pbase = row0 + (c - 2) * _CH
                pltpu.make_async_copy(
                    outb, oh_hbm.at[pl.ds(pbase, _CH)], osem).wait()
                for h in range(_CH // 16):
                    kv = kvbuf[pl.ds((c - 2) * _CH + h * 16, 16)]
                    plsc.store_scatter(outb, [li + h * 16, kv], zero16)

            _rows(c, inb, outb)
            pltpu.async_copy(outb, oh_hbm.at[pl.ds(base, _CH)], osem)

            @pl.when(c0 < _NCH2 - 1)
            def _prefetch():
                nbase = row0 + (c + 2) * _CH
                pltpu.async_copy(x_hbm.at[pl.ds(nbase, _CH)], inb, isem)

        return carry

    lax.fori_loop(0, _NCH2, _outer, 0)

    for b in range(2):
        _, outb, _, osem = bufs[b]
        base = row0 + (_NCH - 2 + b) * _CH
        pltpu.make_async_copy(outb, oh_hbm.at[pl.ds(base, _CH)], osem).wait()
    pltpu.sync_copy(kvbuf, k_hbm.at[pl.ds(row0, _RPW)])
    pltpu.sync_copy(cntv, cnt_hbm.at[wid])


def _sc_call(x2d):
    mesh = plsc.VectorSubcoreMesh(core_axis_name="c", subcore_axis_name="s")
    f = pl.kernel(
        _sc_body,
        out_type=(
            jax.ShapeDtypeStruct((_NTOK, _F), jnp.float32),
            jax.ShapeDtypeStruct((_NTOK,), jnp.int32),
            jax.ShapeDtypeStruct((_NW, _F), jnp.float32),
        ),
        mesh=mesh,
        compiler_params=pltpu.CompilerParams(needs_layout_passes=False),
        scratch_types=[
            pltpu.VMEM((_CH, _F), jnp.float32),
            pltpu.VMEM((_CH, _F), jnp.float32),
            pltpu.VMEM((_CH, _F), jnp.float32),
            pltpu.VMEM((_CH, _F), jnp.float32),
            pltpu.VMEM((_RPW,), jnp.int32),
            pltpu.VMEM((_F,), jnp.float32),
            pltpu.SemaphoreType.DMA,
            pltpu.SemaphoreType.DMA,
            pltpu.SemaphoreType.DMA,
            pltpu.SemaphoreType.DMA,
        ],
    )
    return f(x2d)


def _stats_body(x_ref, ent_ref, pp_ref, dl_ref, avg_acc):
    i = pl.program_id(0)

    @pl.when(i == 0)
    def _init():
        avg_acc[...] = jnp.zeros_like(avg_acc)

    xb = x_ref[...]
    col = lax.broadcasted_iota(jnp.int32, xb.shape, 2)
    is_msk = (col == 0) | (col == 2) | (col == 3)
    xm = jnp.where(is_msk, -1e30, xb)

    m = jnp.max(xm, axis=2)
    d = jnp.maximum(xm - m[:, :, None], -80.0)
    e = jnp.exp(d)
    s0 = jnp.sum(e, axis=2)
    s1 = jnp.sum(e * d, axis=2)
    ent = jnp.log(s0) - s1 / s0
    ent_ref[i, :] = jnp.mean(ent, axis=0)

    inv_s0 = 1.0 / s0
    avg_acc[0, :] += jnp.sum(e * inv_s0[:, :, None], axis=(0, 1))

    @pl.when(i == _NSTEP - 1)
    def _fini():
        avg = avg_acc[0, :] * (1.0 / _NTOK)
        ppl = jnp.exp(-jnp.sum(avg * jnp.log(avg + 1e-7)))
        pp_ref[0, 0] = ppl
        dl_ref[0, 0] = ((_F - ppl) / _F) / _ENT_TEMP


def _stats_call(x):
    return pl.pallas_call(
        _stats_body,
        grid=(_NSTEP,),
        in_specs=[pl.BlockSpec((_B, _TBLK, _F), lambda i: (0, i, 0))],
        out_specs=(
            pl.BlockSpec((_NSTEP, _TBLK), lambda i: (0, 0)),
            pl.BlockSpec(memory_space=pltpu.SMEM),
            pl.BlockSpec(memory_space=pltpu.SMEM),
        ),
        out_shape=(
            jax.ShapeDtypeStruct((_NSTEP, _TBLK), jnp.float32),
            jax.ShapeDtypeStruct((1, 1), jnp.float32),
            jax.ShapeDtypeStruct((1, 1), jnp.float32),
        ),
        scratch_shapes=[pltpu.VMEM((1, _F), jnp.float32)],
        compiler_params=pltpu.CompilerParams(has_side_effects=False),
    )(x)


def _cp_body(cnt_ref, cp_ref):
    hardp = jnp.sum(cnt_ref[...], axis=0) * (1.0 / _NTOK)
    cp_ref[0, 0] = jnp.exp(-jnp.sum(hardp * jnp.log(hardp + 1e-7)))


def _cp_call(cnt):
    return pl.pallas_call(
        _cp_body,
        out_specs=pl.BlockSpec(memory_space=pltpu.SMEM),
        out_shape=jax.ShapeDtypeStruct((1, 1), jnp.float32),
        compiler_params=pltpu.CompilerParams(has_side_effects=False),
    )(cnt)


@jax.jit
def _vq(x):
    x2d = x.reshape(_NTOK, _F)
    oh, kk, cnt = _sc_call(x2d)
    ent, ppl, dl = _stats_call(x)
    cp = _cp_call(cnt)
    return oh, kk, ent, cp, ppl, dl


def kernel(x):
    oh, kk, ent, cp, ppl, dl = _vq(x)
    return (
        oh.reshape(_B, _T, _F),
        kk.reshape(_B, _T, 1),
        cp.reshape(()),
        ppl.reshape(()),
        ent.reshape(_T),
        dl.reshape(()),
    )

# --- scband reference (transcript-rebuilt; emitter-appended) ---
"""Pipeline reference for scband-simple-vector-quantizer-35218731828025 (READ-ONLY COPY).

The authoritative reference and input builder live on the scoring server;
editing this copy changes nothing except your own understanding.
"""

import jax, jax.numpy as jnp
import numpy as np

TEMP = 2.0
PROB_MSK = (0, 2, 3)
ENT_TEMP = 0.01


def setup_inputs(seed: int = 0) -> dict:
    key = jax.random.key(seed)
    x = jax.random.normal(key, (8, 1024, 512), dtype=jnp.float32)
    return {"x": x}


def reference(x):
    bsz, tsz, fsz = x.shape
    num_vars = fsz
    xf = x.reshape(bsz * tsz, fsz)
    # prob_msk: add -inf to masked logit columns (feat_len is None branch)
    mask = jnp.zeros((fsz,), dtype=xf.dtype).at[jnp.array(PROB_MSK)].set(-jnp.inf)
    xf = xf + mask[None, :]
    # hard assignment (no_grad in torch)
    k = jnp.argmax(xf, axis=-1)
    hard_x = jax.lax.stop_gradient(jax.nn.one_hot(k, fsz, dtype=xf.dtype))
    hard_probs = jnp.mean(hard_x.astype(jnp.float32), axis=0)
    code_perplexity = jnp.exp(-jnp.sum(hard_probs * jnp.log(hard_probs + 1e-07), axis=-1))
    # soft statistics
    avg_probs = jnp.mean(jax.nn.softmax(xf.astype(jnp.float32), axis=-1), axis=0)
    probs_per_t = jnp.transpose(jax.nn.softmax(xf.reshape(bsz, tsz, fsz), axis=-1), (1, 0, 2))
    ent_per_t = -jnp.sum(probs_per_t * jnp.log(probs_per_t + 1e-09), axis=-1)
    ent_per_t = jnp.mean(ent_per_t, axis=-1)
    prob_perplexity = jnp.exp(-jnp.sum(avg_probs * jnp.log(avg_probs + 1e-07), axis=-1))
    # training path, use_gumbel=False, hard=True: straight-through estimator
    soft = jax.nn.softmax(xf / TEMP, axis=-1)
    xq = hard_x + soft - jax.lax.stop_gradient(soft)
    subword_prob = xq.reshape(bsz, tsz, fsz)
    diversity_loss = ((num_vars - prob_perplexity) / num_vars) / ENT_TEMP
    targets = jnp.argmax(xq.reshape(bsz * tsz, fsz), axis=-1).reshape(bsz, tsz, 1)
    return (subword_prob, targets, code_perplexity, prob_perplexity, ent_per_t, diversity_loss)

if __name__ == "__main__":
    import jax
    _d = setup_inputs()
    print(jax.jit(kernel)(*tuple(_d.values())))

</pallas_src>

<mosaic_0001>
#map = affine_map<(d0, d1) -> (0, 0)>
#map1 = affine_map<(d0, d1) -> (0)>
module attributes {stable_mosaic.version = 14 : i64} {
  func.func @_sc_body(%arg0: i32, %arg1: i32, %arg2: memref<8192x512xf32, #tpu.memory_space<hbm>>, %arg3: memref<8192x512xf32, #tpu.memory_space<hbm>>, %arg4: memref<8192xi32, #tpu.memory_space<hbm>>, %arg5: memref<32x512xf32, #tpu.memory_space<hbm>>, %arg6: memref<32x512xf32, #tpu.memory_space<vmem>>, %arg7: memref<32x512xf32, #tpu.memory_space<vmem>>, %arg8: memref<32x512xf32, #tpu.memory_space<vmem>>, %arg9: memref<32x512xf32, #tpu.memory_space<vmem>>, %arg10: memref<256xi32, #tpu.memory_space<vmem>>, %arg11: memref<512xf32, #tpu.memory_space<vmem>>, %arg12: memref<!tpu.dma_semaphore, #tpu.memory_space<semaphore_mem>>, %arg13: memref<!tpu.dma_semaphore, #tpu.memory_space<semaphore_mem>>, %arg14: memref<!tpu.dma_semaphore, #tpu.memory_space<semaphore_mem>>, %arg15: memref<!tpu.dma_semaphore, #tpu.memory_space<semaphore_mem>>) attributes {dimension_semantics = [#tpu.dimension_semantics<core_parallel>, #tpu.dimension_semantics<subcore_parallel>], iteration_bounds = array<i64: 2, 16>, scalar_prefetch = 0 : i64, scratch_operands = 10 : i64, tpu.core_type = #tpu.core_type<sc_vector_subcore>, window_params = [{transform_indices = #map}, {transform_indices = #map}, {transform_indices = #map1}, {transform_indices = #map}]} {
    %mul3A = arith.constant 2 : i32
    %mul3A_0 = arith.muli %arg1, %mul3A : i32
    %add3A = arith.addi %mul3A_0, %arg0 : i32
    %iota3A = tpu.iota {dimensions = array<i32: 0>} : vector<16xi32>
    %eq3A = arith.constant 0 : i32
    %eq3A_1 = vector.broadcast %eq3A : i32 to vector<16xi32>
    %eq3A_2 = arith.cmpi eq, %iota3A, %eq3A_1 : vector<16xi32>
    %eq3A_3 = arith.constant 2 : i32
    %eq3A_4 = vector.broadcast %eq3A_3 : i32 to vector<16xi32>
    %eq3A_5 = arith.cmpi eq, %iota3A, %eq3A_4 : vector<16xi32>
    %or3A = arith.ori %eq3A_2, %eq3A_5 : vector<16xi1>
    %eq3A_6 = arith.constant 3 : i32
    %eq3A_7 = vector.broadcast %eq3A_6 : i32 to vector<16xi32>
    %eq3A_8 = arith.cmpi eq, %iota3A, %eq3A_7 : vector<16xi32>
    %or3A_9 = arith.ori %or3A, %eq3A_8 : vector<16xi1>
    %broadcast_in_dim3A = arith.constant 0.000000e+00 : f32
    %broadcast_in_dim3A_10 = vector.broadcast %broadcast_in_dim3A : f32 to vector<16xf32>
    %broadcast_in_dim3A_11 = arith.constant 1.000000e+00 : f32
    %broadcast_in_dim3A_12 = vector.broadcast %broadcast_in_dim3A_11 : f32 to vector<16xf32>
    %eq3A_13 = arith.constant 0 : i32
    %eq3A_14 = vector.broadcast %eq3A_13 : i32 to vector<16xi32>
    %eq3A_15 = arith.cmpi eq, %iota3A, %eq3A_14 : vector<16xi32>
    %mul3A_16 = arith.constant 256 : i32
    %mul3A_17 = arith.muli %add3A, %mul3A_16 : i32
    %scan3A = arith.constant 0 : i32
    %scan3A_18 = arith.constant 0 : i32
    %scan3A_19 = arith.constant 32 : i32
    %scan3A_20 = arith.addi %scan3A_18, %scan3A_19 : i32
    %scan3A_21 = arith.constant 1 : i32
    scf.for %scan3A_112 = %scan3A_18 to %scan3A_20 step %scan3A_21  : i32 {
      %swap3A_113 = arith.index_cast %scan3A_112 : i32 to index
      %swap3A_114 = arith.constant 0 : index
      %swap3A_115 = tpu.vector_load %arg8[%swap3A_113, %swap3A_114] {strides = array<i32>} : memref<32x512xf32, #tpu.memory_space<vmem>>, vector<16xf32>,
      tpu.vector_store %arg8[%swap3A_113, %swap3A_114], %broadcast_in_dim3A_10 {strides = array<i32>} : memref<32x512xf32, #tpu.memory_space<vmem>>, vector<16xf32>,
      %swap3A_116 = arith.index_cast %scan3A_112 : i32 to index
      %swap3A_117 = arith.constant 0 : index
      %swap3A_118 = tpu.vector_load %arg9[%swap3A_116, %swap3A_117] {strides = array<i32>} : memref<32x512xf32, #tpu.memory_space<vmem>>, vector<16xf32>,
      tpu.vector_store %arg9[%swap3A_116, %swap3A_117], %broadcast_in_dim3A_10 {strides = array<i32>} : memref<32x512xf32, #tpu.memory_space<vmem>>, vector<16xf32>,
      %swap3A_119 = arith.index_cast %scan3A_112 : i32 to index
      %swap3A_120 = arith.constant 16 : index
      %swap3A_121 = tpu.vector_load %arg8[%swap3A_119, %swap3A_120] {strides = array<i32>} : memref<32x512xf32, #tpu.memory_space<vmem>>, vector<16xf32>,
      tpu.vector_store %arg8[%swap3A_119, %swap3A_120], %broadcast_in_dim3A_10 {strides = array<i32>} : memref<32x512xf32, #tpu.memory_space<vmem>>, vector<16xf32>,
      %swap3A_122 = arith.index_cast %scan3A_112 : i32 to index
      %swap3A_123 = arith.constant 16 : index
      %swap3A_124 = tpu.vector_load %arg9[%swap3A_122, %swap3A_123] {strides = array<i32>} : memref<32x512xf32, #tpu.memory_space<vmem>>, vector<16xf32>,
      tpu.vector_store %arg9[%swap3A_122, %swap3A_123], %broadcast_in_dim3A_10 {strides = array<i32>} : memref<32x512xf32, #tpu.memory_space<vmem>>, vector<16xf32>,
      %swap3A_125 = arith.index_cast %scan3A_112 : i32 to index
      %swap3A_126 = arith.constant 32 : index
      %swap3A_127 = tpu.vector_load %arg8[%swap3A_125, %swap3A_126] {strides = array<i32>} : memref<32x512xf32, #tpu.memory_space<vmem>>, vector<16xf32>,
      tpu.vector_store %arg8[%swap3A_125, %swap3A_126], %broadcast_in_dim3A_10 {strides = array<i32>} : memref<32x512xf32, #tpu.memory_space<vmem>>, vector<16xf32>,
      %swap3A_128 = arith.index_cast %scan3A_112 : i32 to index
      %swap3A_129 = arith.constant 32 : index
      %swap3A_130 = tpu.vector_load %arg9[%swap3A_128, %swap3A_129] {strides = array<i32>} : memref<32x512xf32, #tpu.memory_space<vmem>>, vector<16xf32>,
      tpu.vector_store %arg9[%swap3A_128, %swap3A_129], %broadcast_in_dim3A_10 {strides = array<i32>} : memref<32x512xf32, #tpu.memory_space<vmem>>, vector<16xf32>,
      %swap3A_131 = arith.index_cast %scan3A_112 : i32 to index
      %swap3A_132 = arith.constant 48 : index
      %swap3A_133 = tpu.vector_load %arg8[%swap3A_131, %swap3A_132] {strides = array<i32>} : memref<32x512xf32, #tpu.memory_space<vmem>>, vector<16xf32>,
      tpu.vector_store %arg8[%swap3A_131, %swap3A_132], %broadcast_in_dim3A_10 {strides = array<i32>} : memref<32x512xf32, #tpu.memory_space<vmem>>, vector<16xf32>,
      %swap3A_134 = arith.index_cast %scan3A_112 : i32 to index
      %swap3A_135 = arith.constant 48 : index
      %swap3A_136 = tpu.vector_load %arg9[%swap3A_134, %swap3A_135] {strides = array<i32>} : memref<32x512xf32, #tpu.memory_space<vmem>>, vector<16xf32>,
      tpu.vector_store %arg9[%swap3A_134, %swap3A_135], %broadcast_in_dim3A_10 {strides = array<i32>} : memref<32x512xf32, #tpu.memory_space<vmem>>, vector<16xf32>,
      %swap3A_137 = arith.index_cast %scan3A_112 : i32 to index
      %swap3A_138 = arith.constant 64 : index
      %swap3A_139 = tpu.vector_load %arg8[%swap3A_137, %swap3A_138] {strides = array<i32>} : memref<32x512xf32, #tpu.memory_space<vmem>>, vector<16xf32>,
      tpu.vector_store %arg8[%swap3A_137, %swap3A_138], %broadcast_in_dim3A_10 {strides = array<i32>} : memref<32x512xf32, #tpu.memory_space<vmem>>, vector<16xf32>,
      %swap3A_140 = arith.index_cast %scan3A_112 : i32 to index
      %swap3A_141 = arith.constant 64 : index
      %swap3A_142 = tpu.vector_load %arg9[%swap3A_140, %swap3A_141] {strides = array<i32>} : memref<32x512xf32, #tpu.memory_space<vmem>>, vector<16xf32>,
      tpu.vector_store %arg9[%swap3A_140, %swap3A_141], %broadcast_in_dim3A_10 {strides = array<i32>} : memref<32x512xf32, #tpu.memory_space<vmem>>, vector<16xf32>,
      %swap3A_143 = arith.index_cast %scan3A_112 : i32 to index
      %swap3A_144 = arith.constant 80 : index
      %swap3A_145 = tpu.vector_load %arg8[%swap3A_143, %swap3A_144] {strides = array<i32>} : memref<32x512xf32, #tpu.memory_space<vmem>>, vector<16xf32>,
      tpu.vector_store %arg8[%swap3A_143, %swap3A_144], %broadcast_in_dim3A_10 {strides = array<i32>} : memref<32x512xf32, #tpu.memory_space<vmem>>, vector<16xf32>,
      %swap3A_146 = arith.index_cast %scan3A_112 : i32 to index
      %swap3A_147 = arith.constant 80 : index
      %swap3A_148 = tpu.vector_load %arg9[%swap3A_146, %swap3A_147] {strides = array<i32>} : memref<32x512xf32, #tpu.memory_space<vmem>>, vector<16xf32>,
      tpu.vector_store %arg9[%swap3A_146, %swap3A_147], %broadcast_in_dim3A_10 {strides = array<i32>} : memref<32x512xf32, #tpu.memory_space<vmem>>, vector<16xf32>,
      %swap3A_149 = arith.index_cast %scan3A_112 : i32 to index
      %swap3A_150 = arith.constant 96 : index
      %swap3A_151 = tpu.vector_load %arg8[%swap3A_149, %swap3A_150] {strides = array<i32>} : memref<32x512xf32, #tpu.memory_space<vmem>>, vector<16xf32>,
      tpu.vector_store %arg8[%swap3A_149, %swap3A_150], %broadcast_in_dim3A_10 {strides = array<i32>} : memref<32x512xf32, #tpu.memory_space<vmem>>, vector<16xf32>,
      %swap3A_152 = arith.index_cast %scan3A_112 : i32 to index
      %swap3A_153 = arith.constant 96 : index
      %swap3A_154 = tpu.vector_load %arg9[%swap3A_152, %swap3A_153] {strides = array<i32>} : memref<32x512xf32, #tpu.memory_space<vmem>>, vector<16xf32>,
      tpu.vector_store %arg9[%swap3A_152, %swap3A_153], %broadcast_in_dim3A_10 {strides = array<i32>} : memref<32x512xf32, #tpu.memory_space<vmem>>, vector<16xf32>,
      %swap3A_155 = arith.index_cast %scan3A_112 : i32 to index
      %swap3A_156 = arith.constant 112 : index
      %swap3A_157 = tpu.vector_load %arg8[%swap3A_155, %swap3A_156] {strides = array<i32>} : memref<32x512xf32, #tpu.memory_space<vmem>>, vector<16xf32>,
      tpu.vector_store %arg8[%swap3A_155, %swap3A_156], %broadcast_in_dim3A_10 {strides = array<i32>} : memref<32x512xf32, #tpu.memory_space<vmem>>, vector<16xf32>,
      %swap3A_158 = arith.index_cast %scan3A_112 : i32 to index
      %swap3A_159 = arith.constant 112 : index
      %swap3A_160 = tpu.vector_load %arg9[%swap3A_158, %swap3A_159] {strides = array<i32>} : memref<32x512xf32, #tpu.memory_space<vmem>>, vector<16xf32>,
      tpu.vector_store %arg9[%swap3A_158, %swap3A_159], %broadcast_in_dim3A_10 {strides = array<i32>} : memref<32x512xf32, #tpu.memory_space<vmem>>, vector<16xf32>,
      %swap3A_161 = arith.index_cast %scan3A_112 : i32 to index
      %swap3A_162 = arith.constant 128 : index
      %swap3A_163 = tpu.vector_load %arg8[%swap3A_161, %swap3A_162] {strides = array<i32>} : memref<32x512xf32, #tpu.memory_space<vmem>>, vector<16xf32>,
      tpu.vector_store %arg8[%swap3A_161, %swap3A_162], %broadcast_in_dim3A_10 {strides = array<i32>} : memref<32x512xf32, #tpu.memory_space<vmem>>, vector<16xf32>,
      %swap3A_164 = arith.index_cast %scan3A_112 : i32 to index
      %swap3A_165 = arith.constant 128 : index
      %swap3A_166 = tpu.vector_load %arg9[%swap3A_164, %swap3A_165] {strides = array<i32>} : memref<32x512xf32, #tpu.memory_space<vmem>>, vector<16xf32>,
      tpu.vector_store %arg9[%swap3A_164, %swap3A_165], %broadcast_in_dim3A_10 {strides = array<i32>} : memref<32x512xf32, #tpu.memory_space<vmem>>, vector<16xf32>,
      %swap3A_167 = arith.index_cast %scan3A_112 : i32 to index
      %swap3A_168 = arith.constant 144 : index
      %swap3A_169 = tpu.vector_load %arg8[%swap3A_167, %swap3A_168] {strides = array<i32>} : memref<32x512xf32, #tpu.memory_space<vmem>>, vector<16xf32>,
      tpu.vector_store %arg8[%swap3A_167, %swap3A_168], %broadcast_in_dim3A_10 {strides = array<i32>} : memref<32x512xf32, #tpu.memory_space<vmem>>, vector<16xf32>,
      %swap3A_170 = arith.index_cast %scan3A_112 : i32 to index
      %swap3A_171 = arith.constant 144 : index
      %swap3A_172 = tpu.vector_load %arg9[%swap3A_170, %swap3A_171] {strides = array<i32>} : memref<32x512xf32, #tpu.memory_space<vmem>>, vector<16xf32>,
      tpu.vector_store %arg9[%swap3A_170, %swap3A_171], %broadcast_in_dim3A_10 {strides = array<i32>} : memref<32x512xf32, #tpu.memory_space<vmem>>, vector<16xf32>,
      %swap3A_173 = arith.index_cast %scan3A_112 : i32 to index
      %swap3A_174 = arith.constant 160 : index
      %swap3A_175 = tpu.vector_load %arg8[%swap3A_173, %swap3A_174] {strides = array<i32>} : memref<32x512xf32, #tpu.memory_space<vmem>>, vector<16xf32>,
      tpu.vector_store %arg8[%swap3A_173, %swap3A_174], %broadcast_in_dim3A_10 {strides = array<i32>} : memref<32x512xf32, #tpu.memory_space<vmem>>, vector<16xf32>,
      %swap3A_176 = arith.index_cast %scan3A_112 : i32 to index
      %swap3A_177 = arith.constant 160 : index
      %swap3A_178 = tpu.vector_load %arg9[%swap3A_176, %swap3A_177] {strides = array<i32>} : memref<32x512xf32, #tpu.memory_space<vmem>>, vector<16xf32>,
      tpu.vector_store %arg9[%swap3A_176, %swap3A_177], %broadcast_in_dim3A_10 {strides = array<i32>} : memref<32x512xf32, #tpu.memory_space<vmem>>, vector<16xf32>,
      %swap3A_179 = arith.index_cast %scan3A_112 : i32 to index
      %swap3A_180 = arith.constant 176 : index
      %swap3A_181 = tpu.vector_load %arg8[%swap3A_179, %swap3A_180] {strides = array<i32>} : memref<32x512xf32, #tpu.memory_space<vmem>>, vector<16xf32>,
      tpu.vector_store %arg8[%swap3A_179, %swap3A_180], %broadcast_in_dim3A_10 {strides = array<i32>} : memref<32x512xf32, #tpu.memory_space<vmem>>, vector<16xf32>,
      %swap3A_182 = arith.index_cast %scan3A_112 : i32 to index
      %swap3A_183 = arith.constant 176 : index
      %swap3A_184 = tpu.vector_load %arg9[%swap3A_182, %swap3A_183] {strides = array<i32>} : memref<32x512xf32, #tpu.memory_space<vmem>>, vector<16xf32>,
      tpu.vector_store %arg9[%swap3A_182, %swap3A_183], %broadcast_in_dim3A_10 {strides = array<i32>} : memref<32x512xf32, #tpu.memory_space<vmem>>, vector<16xf32>,
      %swap3A_185 = arith.index_cast %scan3A_112 : i32 to index
      %swap3A_186 = arith.constant 192 : index
      %swap3A_187 = tpu.vector_load %arg8[%swap3A_185, %swap3A_186] {strides = array<i32>} : memref<32x512xf32, #tpu.memory_space<vmem>>, vector<16xf32>,
      tpu.vector_store %arg8[%swap3A_185, %swap3A_186], %broadcast_in_dim3A_10 {strides = array<i32>} : memref<32x512xf32, #tpu.memory_space<vmem>>, vector<16xf32>,
      %swap3A_188 = arith.index_cast %scan3A_112 : i32 to index
      %swap3A_189 = arith.constant 192 : index
      %swap3A_190 = tpu.vector_load %arg9[%swap3A_188, %swap3A_189] {strides = array<i32>} : memref<32x512xf32, #tpu.memory_space<vmem>>, vector<16xf32>,
      tpu.vector_store %arg9[%swap3A_188, %swap3A_189], %broadcast_in_dim3A_10 {strides = array<i32>} : memref<32x512xf32, #tpu.memory_space<vmem>>, vector<16xf32>,
      %swap3A_191 = arith.index_cast %scan3A_112 : i32 to index
      %swap3A_192 = arith.constant 208 : index
      %swap3A_193 = tpu.vector_load %arg8[%swap3A_191, %swap3A_192] {strides = array<i32>} : memref<32x512xf32, #tpu.memory_space<vmem>>, vector<16xf32>,
      tpu.vector_store %arg8[%swap3A_191, %swap3A_192], %broadcast_in_dim3A_10 {strides = array<i32>} : memref<32x512xf32, #tpu.memory_space<vmem>>, vector<16xf32>,
      %swap3A_194 = arith.index_cast %scan3A_112 : i32 to index
      %swap3A_195 = arith.constant 208 : index
      %swap3A_196 = tpu.vector_load %arg9[%swap3A_194, %swap3A_195] {strides = array<i32>} : memref<32x512xf32, #tpu.memory_space<vmem>>, vector<16xf32>,
      tpu.vector_store %arg9[%swap3A_194, %swap3A_195], %broadcast_in_dim3A_10 {strides = array<i32>} : memref<32x512xf32, #tpu.memory_space<vmem>>, vector<16xf32>,
      %swap3A_197 = arith.index_cast %scan3A_112 : i32 to index
      %swap3A_198 = arith.constant 224 : index
      %swap3A_199 = tpu.vector_load %arg8[%swap3A_197, %swap3A_198] {strides = array<i32>} : memref<32x512xf32, #tpu.memory_space<vmem>>, vector<16xf32>,
      tpu.vector_store %arg8[%swap3A_197, %swap3A_198], %broadcast_in_dim3A_10 {strides = array<i32>} : memref<32x512xf32, #tpu.memory_space<vmem>>, vector<16xf32>,
      %swap3A_200 = arith.index_cast %scan3A_112 : i32 to index
      %swap3A_201 = arith.constant 224 : index
      %swap3A_202 = tpu.vector_load %arg9[%swap3A_200, %swap3A_201] {strides = array<i32>} : memref<32x512xf32, #tpu.memory_space<vmem>>, vector<16xf32>,
      tpu.vector_store %arg9[%swap3A_200, %swap3A_201], %broadcast_in_dim3A_10 {strides = array<i32>} : memref<32x512xf32, #tpu.memory_space<vmem>>, vector<16xf32>,
      %swap3A_203 = arith.index_cast %scan3A_112 : i32 to index
      %swap3A_204 = arith.constant 240 : index
      %swap3A_205 = tpu.vector_load %arg8[%swap3A_203, %swap3A_204] {strides = array<i32>} : memref<32x512xf32, #tpu.memory_space<vmem>>, vector<16xf32>,
      tpu.vector_store %arg8[%swap3A_203, %swap3A_204], %broadcast_in_dim3A_10 {strides = array<i32>} : memref<32x512xf32, #tpu.memory_space<vmem>>, vector<16xf32>,
      %swap3A_206 = arith.index_cast %scan3A_112 : i32 to index
      %swap3A_207 = arith.constant 240 : index
      %swap3A_208 = tpu.vector_load %arg9[%swap3A_206, %swap3A_207] {strides = array<i32>} : memref<32x512xf32, #tpu.memory_space<vmem>>, vector<16xf32>,
      tpu.vector_store %arg9[%swap3A_206, %swap3A_207], %broadcast_in_dim3A_10 {strides = array<i32>} : memref<32x512xf32, #tpu.memory_space<vmem>>, vector<16xf32>,
      %swap3A_209 = arith.index_cast %scan3A_112 : i32 to index
      %swap3A_210 = arith.constant 256 : index
      %swap3A_211 = tpu.vector_load %arg8[%swap3A_209, %swap3A_210] {strides = array<i32>} : memref<32x512xf32, #tpu.memory_space<vmem>>, vector<16xf32>,
      tpu.vector_store %arg8[%swap3A_209, %swap3A_210], %broadcast_in_dim3A_10 {strides = array<i32>} : memref<32x512xf32, #tpu.memory_space<vmem>>, vector<16xf32>,
      %swap3A_212 = arith.index_cast %scan3A_112 : i32 to index
      %swap3A_213 = arith.constant 256 : index
      %swap3A_214 = tpu.vector_load %arg9[%swap3A_212, %swap3A_213] {strides = array<i32>} : memref<32x512xf32, #tpu.memory_space<vmem>>, vector<16xf32>,
      tpu.vector_store %arg9[%swap3A_212, %swap3A_213], %broadcast_in_dim3A_10 {strides = array<i32>} : memref<32x512xf32, #tpu.memory_space<vmem>>, vector<16xf32>,
      %swap3A_215 = arith.index_cast %scan3A_112 : i32 to index
      %swap3A_216 = arith.constant 272 : index
      %swap3A_217 = tpu.vector_load %arg8[%swap3A_215, %swap3A_216] {strides = array<i32>} : memref<32x512xf32, #tpu.memory_space<vmem>>, vector<16xf32>,
      tpu.vector_store %arg8[%swap3A_215, %swap3A_216], %broadcast_in_dim3A_10 {strides = array<i32>} : memref<32x512xf32, #tpu.memory_space<vmem>>, vector<16xf32>,
      %swap3A_218 = arith.index_cast %scan3A_112 : i32 to index
      %swap3A_219 = arith.constant 272 : index
      %swap3A_220 = tpu.vector_load %arg9[%swap3A_218, %swap3A_219] {strides = array<i32>} : memref<32x512xf32, #tpu.memory_space<vmem>>, vector<16xf32>,
      tpu.vector_store %arg9[%swap3A_218, %swap3A_219], %broadcast_in_dim3A_10 {strides = array<i32>} : memref<32x512xf32, #tpu.memory_space<vmem>>, vector<16xf32>,
      %swap3A_221 = arith.index_cast %scan3A_112 : i32 to index
      %swap3A_222 = arith.constant 288 : index
      %swap3A_223 = tpu.vector_load %arg8[%swap3A_221, %swap3A_222] {strides = array<i32>} : memref<32x512xf32, #tpu.memory_space<vmem>>, vector<16xf32>,
      tpu.vector_store %arg8[%swap3A_221, %swap3A_222], %broadcast_in_dim3A_10 {strides = array<i32>} : memref<32x512xf32, #tpu.memory_space<vmem>>, vector<16xf32>,
      %swap3A_224 = arith.index_cast %scan3A_112 : i32 to index
      %swap3A_225 = arith.constant 288 : index
      %swap3A_226 = tpu.vector_load %arg9[%swap3A_224, %swap3A_225] {strides = array<i32>} : memref<32x512xf32, #tpu.memory_space<vmem>>, vector<16xf32>,
      tpu.vector_store %arg9[%swap3A_224, %swap3A_225], %broadcast_in_dim3A_10 {strides = array<i32>} : memref<32x512xf32, #tpu.memory_space<vmem>>, vector<16xf32>,
      %swap3A_227 = arith.index_cast %scan3A_112 : i32 to index
      %swap3A_228 = arith.constant 304 : index
      %swap3A_229 = tpu.vector_load %arg8[%swap3A_227, %swap3A_228] {strides = array<i32>} : memref<32x512xf32, #tpu.memory_space<vmem>>, vector<16xf32>,
      tpu.vector_store %arg8[%swap3A_227, %swap3A_228], %broadcast_in_dim3A_10 {strides = array<i32>} : memref<32x512xf32, #tpu.memory_space<vmem>>, vector<16xf32>,
      %swap3A_230 = arith.index_cast %scan3A_112 : i32 to index
      %swap3A_231 = arith.constant 304 : index
      %swap3A_232 = tpu.vector_load %arg9[%swap3A_230, %swap3A_231] {strides = array<i32>} : memref<32x512xf32, #tpu.memory_space<vmem>>, vector<16xf32>,
      tpu.vector_store %arg9[%swap3A_230, %swap3A_231], %broadcast_in_dim3A_10 {strides = array<i32>} : memref<32x512xf32, #tpu.memory_space<vmem>>, vector<16xf32>,
      %swap3A_233 = arith.index_cast %scan3A_112 : i32 to index
      %swap3A_234 = arith.constant 320 : index
      %swap3A_235 = tpu.vector_load %arg8[%swap3A_233, %swap3A_234] {strides = array<i32>} : memref<32x512xf32, #tpu.memory_space<vmem>>, vector<16xf32>,
      tpu.vector_store %arg8[%swap3A_233, %swap3A_234], %broadcast_in_dim3A_10 {strides = array<i32>} : memref<32x512xf32, #tpu.memory_space<vmem>>, vector<16xf32>,
      %swap3A_236 = arith.index_cast %scan3A_112 : i32 to index
      %swap3A_237 = arith.constant 320 : index
      %swap3A_238 = tpu.vector_load %arg9[%swap3A_236, %swap3A_237] {strides = array<i32>} : memref<32x512xf32, #tpu.memory_space<vmem>>, vector<16xf32>,
      tpu.vector_store %arg9[%swap3A_236, %swap3A_237], %broadcast_in_dim3A_10 {strides = array<i32>} : memref<32x512xf32, #tpu.memory_space<vmem>>, vector<16xf32>,
      %swap3A_239 = arith.index_cast %scan3A_112 : i32 to index
      %swap3A_240 = arith.constant 336 : index
      %swap3A_241 = tpu.vector_load %arg8[%swap3A_239, %swap3A_240] {strides = array<i32>} : memref<32x512xf32, #tpu.memory_space<vmem>>, vector<16xf32>,
      tpu.vector_store %arg8[%swap3A_239, %swap3A_240], %broadcast_in_dim3A_10 {strides = array<i32>} : memref<32x512xf32, #tpu.memory_space<vmem>>, vector<16xf32>,
      %swap3A_242 = arith.index_cast %scan3A_112 : i32 to index
      %swap3A_243 = arith.constant 336 : index
      %swap3A_244 = tpu.vector_load %arg9[%swap3A_242, %swap3A_243] {strides = array<i32>} : memref<32x512xf32, #tpu.memory_space<vmem>>, vector<16xf32>,
      tpu.vector_store %arg9[%swap3A_242, %swap3A_243], %broadcast_in_dim3A_10 {strides = array<i32>} : memref<32x512xf32, #tpu.memory_space<vmem>>, vector<16xf32>,
      %swap3A_245 = arith.index_cast %scan3A_112 : i32 to index
      %swap3A_246 = arith.constant 352 : index
      %swap3A_247 = tpu.vector_load %arg8[%swap3A_245, %swap3A_246] {strides = array<i32>} : memref<32x512xf32, #tpu.memory_space<vmem>>, vector<16xf32>,
      tpu.vector_store %arg8[%swap3A_245, %swap3A_246], %broadcast_in_dim3A_10 {strides = array<i32>} : memref<32x512xf32, #tpu.memory_space<vmem>>, vector<16xf32>,
      %swap3A_248 = arith.index_cast %scan3A_112 : i32 to index
      %swap3A_249 = arith.constant 352 : index
      %swap3A_250 = tpu.vector_load %arg9[%swap3A_248, %swap3A_249] {strides = array<i32>} : memref<32x512xf32, #tpu.memory_space<vmem>>, vector<16xf32>,
      tpu.vector_store %arg9[%swap3A_248, %swap3A_249], %broadcast_in_dim3A_10 {strides = array<i32>} : memref<32x512xf32, #tpu.memory_space<vmem>>, vector<16xf32>,
      %swap3A_251 = arith.index_cast %scan3A_112 : i32 to index
      %swap3A_252 = arith.constant 368 : index
      %swap3A_253 = tpu.vector_load %arg8[%swap3A_251, %swap3A_252] {strides = array<i32>} : memref<32x512xf32, #tpu.memory_space<vmem>>, vector<16xf32>,
      tpu.vector_store %arg8[%swap3A_251, %swap3A_252], %broadcast_in_dim3A_10 {strides = array<i32>} : memref<32x512xf32, #tpu.memory_space<vmem>>, vector<16xf32>,
      %swap3A_254 = arith.index_cast %scan3A_112 : i32 to index
      %swap3A_255 = arith.constant 368 : index
      %swap3A_256 = tpu.vector_load %arg9[%swap3A_254, %swap3A_255] {strides = array<i32>} : memref<32x512xf32, #tpu.memory_space<vmem>>, vector<16xf32>,
      tpu.vector_store %arg9[%swap3A_254, %swap3A_255], %broadcast_in_dim3A_10 {strides = array<i32>} : memref<32x512xf32, #tpu.memory_space<vmem>>, vector<16xf32>,
      %swap3A_257 = arith.index_cast %scan3A_112 : i32 to index
      %swap3A_258 = arith.constant 384 : index
      %swap3A_259 = tpu.vector_load %arg8[%swap3A_257, %swap3A_258] {strides = array<i32>} : memref<32x512xf32, #tpu.memory_space<vmem>>, vector<16xf32>,
      tpu.vector_store %arg8[%swap3A_257, %swap3A_258], %broadcast_in_dim3A_10 {strides = array<i32>} : memref<32x512xf32, #tpu.memory_space<vmem>>, vector<16xf32>,
      %swap3A_260 = arith.index_cast %scan3A_112 : i32 to index
      %swap3A_261 = arith.constant 384 : index
      %swap3A_262 = tpu.vector_load %arg9[%swap3A_260, %swap3A_261] {strides = array<i32>} : memref<32x512xf32, #tpu.memory_space<vmem>>, vector<16xf32>,
      tpu.vector_store %arg9[%swap3A_260, %swap3A_261], %broadcast_in_dim3A_10 {strides = array<i32>} : memref<32x512xf32, #tpu.memory_space<vmem>>, vector<16xf32>,
      %swap3A_263 = arith.index_cast %scan3A_112 : i32 to index
      %swap3A_264 = arith.constant 400 : index
      %swap3A_265 = tpu.vector_load %arg8[%swap3A_263, %swap3A_264] {strides = array<i32>} : memref<32x512xf32, #tpu.memory_space<vmem>>, vector<16xf32>,
      tpu.vector_store %arg8[%swap3A_263, %swap3A_264], %broadcast_in_dim3A_10 {strides = array<i32>} : memref<32x512xf32, #tpu.memory_space<vmem>>, vector<16xf32>,
      %swap3A_266 = arith.index_cast %scan3A_112 : i32 to index
      %swap3A_267 = arith.constant 400 : index
      %swap3A_268 = tpu.vector_load %arg9[%swap3A_266, %swap3A_267] {strides = array<i32>} : memref<32x512xf32, #tpu.memory_space<vmem>>, vector<16xf32>,
      tpu.vector_store %arg9[%swap3A_266, %swap3A_267], %broadcast_in_dim3A_10 {strides = array<i32>} : memref<32x512xf32, #tpu.memory_space<vmem>>, vector<16xf32>,
      %swap3A_269 = arith.index_cast %scan3A_112 : i32 to index
      %swap3A_270 = arith.constant 416 : index
      %swap3A_271 = tpu.vector_load %arg8[%swap3A_269, %swap3A_270] {strides = array<i32>} : memref<32x512xf32, #tpu.memory_space<vmem>>, vector<16xf32>,
      tpu.vector_store %arg8[%swap3A_269, %swap3A_270], %broadcast_in_dim3A_10 {strides = array<i32>} : memref<32x512xf32, #tpu.memory_space<vmem>>, vector<16xf32>,
      %swap3A_272 = arith.index_cast %scan3A_112 : i32 to index
      %swap3A_273 = arith.constant 416 : index
      %swap3A_274 = tpu.vector_load %arg9[%swap3A_272, %swap3A_273] {strides = array<i32>} : memref<32x512xf32, #tpu.memory_space<vmem>>, vector<16xf32>,
      tpu.vector_store %arg9[%swap3A_272, %swap3A_273], %broadcast_in_dim3A_10 {strides = array<i32>} : memref<32x512xf32, #tpu.memory_space<vmem>>, vector<16xf32>,
      %swap3A_275 = arith.index_cast %scan3A_112 : i32 to index
      %swap3A_276 = arith.constant 432 : index
      %swap3A_277 = tpu.vector_load %arg8[%swap3A_275, %swap3A_276] {strides = array<i32>} : memref<32x512xf32, #tpu.memory_space<vmem>>, vector<16xf32>,
      tpu.vector_store %arg8[%swap3A_275, %swap3A_276], %broadcast_in_dim3A_10 {strides = array<i32>} : memref<32x512xf32, #tpu.memory_space<vmem>>, vector<16xf32>,
      %swap3A_278 = arith.index_cast %scan3A_112 : i32 to index
      %swap3A_279 = arith.constant 432 : index
      %swap3A_280 = tpu.vector_load %arg9[%swap3A_278, %swap3A_279] {strides = array<i32>} : memref<32x512xf32, #tpu.memory_space<vmem>>, vector<16xf32>,
      tpu.vector_store %arg9[%swap3A_278, %swap3A_279], %broadcast_in_dim3A_10 {strides = array<i32>} : memref<32x512xf32, #tpu.memory_space<vmem>>, vector<16xf32>,
      %swap3A_281 = arith.index_cast %scan3A_112 : i32 to index
      %swap3A_282 = arith.constant 448 : index
      %swap3A_283 = tpu.vector_load %arg8[%swap3A_281, %swap3A_282] {strides = array<i32>} : memref<32x512xf32, #tpu.memory_space<vmem>>, vector<16xf32>,
      tpu.vector_store %arg8[%swap3A_281, %swap3A_282], %broadcast_in_dim3A_10 {strides = array<i32>} : memref<32x512xf32, #tpu.memory_space<vmem>>, vector<16xf32>,
      %swap3A_284 = arith.index_cast %scan3A_112 : i32 to index
      %swap3A_285 = arith.constant 448 : index
      %swap3A_286 = tpu.vector_load %arg9[%swap3A_284, %swap3A_285] {strides = array<i32>} : memref<32x512xf32, #tpu.memory_space<vmem>>, vector<16xf32>,
      tpu.vector_store %arg9[%swap3A_284, %swap3A_285], %broadcast_in_dim3A_10 {strides = array<i32>} : memref<32x512xf32, #tpu.memory_space<vmem>>, vector<16xf32>,
      %swap3A_287 = arith.index_cast %scan3A_112 : i32 to index
      %swap3A_288 = arith.constant 464 : index
      %swap3A_289 = tpu.vector_load %arg8[%swap3A_287, %swap3A_288] {strides = array<i32>} : memref<32x512xf32, #tpu.memory_space<vmem>>, vector<16xf32>,
      tpu.vector_store %arg8[%swap3A_287, %swap3A_288], %broadcast_in_dim3A_10 {strides = array<i32>} : memref<32x512xf32, #tpu.memory_space<vmem>>, vector<16xf32>,
      %swap3A_290 = arith.index_cast %scan3A_112 : i32 to index
      %swap3A_291 = arith.constant 464 : index
      %swap3A_292 = tpu.vector_load %arg9[%swap3A_290, %swap3A_291] {strides = array<i32>} : memref<32x512xf32, #tpu.memory_space<vmem>>, vector<16xf32>,
      tpu.vector_store %arg9[%swap3A_290, %swap3A_291], %broadcast_in_dim3A_10 {strides = array<i32>} : memref<32x512xf32, #tpu.memory_space<vmem>>, vector<16xf32>,
      %swap3A_293 = arith.index_cast %scan3A_112 : i32 to index
      %swap3A_294 = arith.constant 480 : index
      %swap3A_295 = tpu.vector_load %arg8[%swap3A_293, %swap3A_294] {strides = array<i32>} : memref<32x512xf32, #tpu.memory_space<vmem>>, vector<16xf32>,
      tpu.vector_store %arg8[%swap3A_293, %swap3A_294], %broadcast_in_dim3A_10 {strides = array<i32>} : memref<32x512xf32, #tpu.memory_space<vmem>>, vector<16xf32>,
      %swap3A_296 = arith.index_cast %scan3A_112 : i32 to index
      %swap3A_297 = arith.constant 480 : index
      %swap3A_298 = tpu.vector_load %arg9[%swap3A_296, %swap3A_297] {strides = array<i32>} : memref<32x512xf32, #tpu.memory_space<vmem>>, vector<16xf32>,
      tpu.vector_store %arg9[%swap3A_296, %swap3A_297], %broadcast_in_dim3A_10 {strides = array<i32>} : memref<32x512xf32, #tpu.memory_space<vmem>>, vector<16xf32>,
      %swap3A_299 = arith.index_cast %scan3A_112 : i32 to index
      %swap3A_300 = arith.constant 496 : index
      %swap3A_301 = tpu.vector_load %arg8[%swap3A_299, %swap3A_300] {strides = array<i32>} : memref<32x512xf32, #tpu.memory_space<vmem>>, vector<16xf32>,
      tpu.vector_store %arg8[%swap3A_299, %swap3A_300], %broadcast_in_dim3A_10 {strides = array<i32>} : memref<32x512xf32, #tpu.memory_space<vmem>>, vector<16xf32>,
      %swap3A_302 = arith.index_cast %scan3A_112 : i32 to index
      %swap3A_303 = arith.constant 496 : index
      %swap3A_304 = tpu.vector_load %arg9[%swap3A_302, %swap3A_303] {strides = array<i32>} : memref<32x512xf32, #tpu.memory_space<vmem>>, vector<16xf32>,
      tpu.vector_store %arg9[%swap3A_302, %swap3A_303], %broadcast_in_dim3A_10 {strides = array<i32>} : memref<32x512xf32, #tpu.memory_space<vmem>>, vector<16xf32>,
    }
    %scan3A_22 = arith.constant 32 : i32
    %swap3A = arith.constant 0 : index
    %swap3A_23 = tpu.vector_load %arg11[%swap3A] {strides = array<i32>} : memref<512xf32, #tpu.memory_space<vmem>>, vector<16xf32>,
    tpu.vector_store %arg11[%swap3A], %broadcast_in_dim3A_10 {strides = array<i32>} : memref<512xf32, #tpu.memory_space<vmem>>, vector<16xf32>,
    %swap3A_24 = arith.constant 16 : index
    %swap3A_25 = tpu.vector_load %arg11[%swap3A_24] {strides = array<i32>} : memref<512xf32, #tpu.memory_space<vmem>>, vector<16xf32>,
    tpu.vector_store %arg11[%swap3A_24], %broadcast_in_dim3A_10 {strides = array<i32>} : memref<512xf32, #tpu.memory_space<vmem>>, vector<16xf32>,
    %swap3A_26 = arith.constant 32 : index
    %swap3A_27 = tpu.vector_load %arg11[%swap3A_26] {strides = array<i32>} : memref<512xf32, #tpu.memory_space<vmem>>, vector<16xf32>,
    tpu.vector_store %arg11[%swap3A_26], %broadcast_in_dim3A_10 {strides = array<i32>} : memref<512xf32, #tpu.memory_space<vmem>>, vector<16xf32>,
    %swap3A_28 = arith.constant 48 : index
    %swap3A_29 = tpu.vector_load %arg11[%swap3A_28] {strides = array<i32>} : memref<512xf32, #tpu.memory_space<vmem>>, vector<16xf32>,
    tpu.vector_store %arg11[%swap3A_28], %broadcast_in_dim3A_10 {strides = array<i32>} : memref<512xf32, #tpu.memory_space<vmem>>, vector<16xf32>,
    %swap3A_30 = arith.constant 64 : index
    %swap3A_31 = tpu.vector_load %arg11[%swap3A_30] {strides = array<i32>} : memref<512xf32, #tpu.memory_space<vmem>>, vector<16xf32>,
    tpu.vector_store %arg11[%swap3A_30], %broadcast_in_dim3A_10 {strides = array<i32>} : memref<512xf32, #tpu.memory_space<vmem>>, vector<16xf32>,
    %swap3A_32 = arith.constant 80 : index
    %swap3A_33 = tpu.vector_load %arg11[%swap3A_32] {strides = array<i32>} : memref<512xf32, #tpu.memory_space<vmem>>, vector<16xf32>,
    tpu.vector_store %arg11[%swap3A_32], %broadcast_in_dim3A_10 {strides = array<i32>} : memref<512xf32, #tpu.memory_space<vmem>>, vector<16xf32>,
    %swap3A_34 = arith.constant 96 : index
    %swap3A_35 = tpu.vector_load %arg11[%swap3A_34] {strides = array<i32>} : memref<512xf32, #tpu.memory_space<vmem>>, vector<16xf32>,
    tpu.vector_store %arg11[%swap3A_34], %broadcast_in_dim3A_10 {strides = array<i32>} : memref<512xf32, #tpu.memory_space<vmem>>, vector<16xf32>,
    %swap3A_36 = arith.constant 112 : index
    %swap3A_37 = tpu.vector_load %arg11[%swap3A_36] {strides = array<i32>} : memref<512xf32, #tpu.memory_space<vmem>>, vector<16xf32>,
    tpu.vector_store %arg11[%swap3A_36], %broadcast_in_dim3A_10 {strides = array<i32>} : memref<512xf32, #tpu.memory_space<vmem>>, vector<16xf32>,
    %swap3A_38 = arith.constant 128 : index
    %swap3A_39 = tpu.vector_load %arg11[%swap3A_38] {strides = array<i32>} : memref<512xf32, #tpu.memory_space<vmem>>, vector<16xf32>,
    tpu.vector_store %arg11[%swap3A_38], %broadcast_in_dim3A_10 {strides = array<i32>} : memref<512xf32, #tpu.memory_space<vmem>>, vector<16xf32>,
    %swap3A_40 = arith.constant 144 : index
    %swap3A_41 = tpu.vector_load %arg11[%swap3A_40] {strides = array<i32>} : memref<512xf32, #tpu.memory_space<vmem>>, vector<16xf32>,
    tpu.vector_store %arg11[%swap3A_40], %broadcast_in_dim3A_10 {strides = array<i32>} : memref<512xf32, #tpu.memory_space<vmem>>, vector<16xf32>,
    %swap3A_42 = arith.constant 160 : index
    %swap3A_43 = tpu.vector_load %arg11[%swap3A_42] {strides = array<i32>} : memref<512xf32, #tpu.memory_space<vmem>>, vector<16xf32>,
    tpu.vector_store %arg11[%swap3A_42], %broadcast_in_dim3A_10 {strides = array<i32>} : memref<512xf32, #tpu.memory_space<vmem>>, vector<16xf32>,
    %swap3A_44 = arith.constant 176 : index
    %swap3A_45 = tpu.vector_load %arg11[%swap3A_44] {strides = array<i32>} : memref<512xf32, #tpu.memory_space<vmem>>, vector<16xf32>,
    tpu.vector_store %arg11[%swap3A_44], %broadcast_in_dim3A_10 {strides = array<i32>} : memref<512xf32, #tpu.memory_space<vmem>>, vector<16xf32>,
    %swap3A_46 = arith.constant 192 : index
    %swap3A_47 = tpu.vector_load %arg11[%swap3A_46] {strides = array<i32>} : memref<512xf32, #tpu.memory_space<vmem>>, vector<16xf32>,
    tpu.vector_store %arg11[%swap3A_46], %broadcast_in_dim3A_10 {strides = array<i32>} : memref<512xf32, #tpu.memory_space<vmem>>, vector<16xf32>,
    %swap3A_48 = arith.constant 208 : index
    %swap3A_49 = tpu.vector_load %arg11[%swap3A_48] {strides = array<i32>} : memref<512xf32, #tpu.memory_space<vmem>>, vector<16xf32>,
    tpu.vector_store %arg11[%swap3A_48], %broadcast_in_dim3A_10 {strides = array<i32>} : memref<512xf32, #tpu.memory_space<vmem>>, vector<16xf32>,
    %swap3A_50 = arith.constant 224 : index
    %swap3A_51 = tpu.vector_load %arg11[%swap3A_50] {strides = array<i32>} : memref<512xf32, #tpu.memory_space<vmem>>, vector<16xf32>,
    tpu.vector_store %arg11[%swap3A_50], %broadcast_in_dim3A_10 {strides = array<i32>} : memref<512xf32, #tpu.memory_space<vmem>>, vector<16xf32>,
    %swap3A_52 = arith.constant 240 : index
    %swap3A_53 = tpu.vector_load %arg11[%swap3A_52] {strides = array<i32>} : memref<512xf32, #tpu.memory_space<vmem>>, vector<16xf32>,
    tpu.vector_store %arg11[%swap3A_52], %broadcast_in_dim3A_10 {strides = array<i32>} : memref<512xf32, #tpu.memory_space<vmem>>, vector<16xf32>,
    %swap3A_54 = arith.constant 256 : index
    %swap3A_55 = tpu.vector_load %arg11[%swap3A_54] {strides = array<i32>} : memref<512xf32, #tpu.memory_space<vmem>>, vector<16xf32>,
    tpu.vector_store %arg11[%swap3A_54], %broadcast_in_dim3A_10 {strides = array<i32>} : memref<512xf32, #tpu.memory_space<vmem>>, vector<16xf32>,
    %swap3A_56 = arith.constant 272 : index
    %swap3A_57 = tpu.vector_load %arg11[%swap3A_56] {strides = array<i32>} : memref<512xf32, #tpu.memory_space<vmem>>, vector<16xf32>,
    tpu.vector_store %arg11[%swap3A_56], %broadcast_in_dim3A_10 {strides = array<i32>} : memref<512xf32, #tpu.memory_space<vmem>>, vector<16xf32>,
    %swap3A_58 = arith.constant 288 : index
    %swap3A_59 = tpu.vector_load %arg11[%swap3A_58] {strides = array<i32>} : memref<512xf32, #tpu.memory_space<vmem>>, vector<16xf32>,
    tpu.vector_store %arg11[%swap3A_58], %broadcast_in_dim3A_10 {strides = array<i32>} : memref<512xf32, #tpu.memory_space<vmem>>, vector<16xf32>,
    %swap3A_60 = arith.constant 304 : index
    %swap3A_61 = tpu.vector_load %arg11[%swap3A_60] {strides = array<i32>} : memref<512xf32, #tpu.memory_space<vmem>>, vector<16xf32>,
    tpu.vector_store %arg11[%swap3A_60], %broadcast_in_dim3A_10 {strides = array<i32>} : memref<512xf32, #tpu.memory_space<vmem>>, vector<16xf32>,
    %swap3A_62 = arith.constant 320 : index
    %swap3A_63 = tpu.vector_load %arg11[%swap3A_62] {strides = array<i32>} : memref<512xf32, #tpu.memory_space<vmem>>, vector<16xf32>,
    tpu.vector_store %arg11[%swap3A_62], %broadcast_in_dim3A_10 {strides = array<i32>} : memref<512xf32, #tpu.memory_space<vmem>>, vector<16xf32>,
    %swap3A_64 = arith.constant 336 : index
    %swap3A_65 = tpu.vector_load %arg11[%swap3A_64] {strides = array<i32>} : memref<512xf32, #tpu.memory_space<vmem>>, vector<16xf32>,
    tpu.vector_store %arg11[%swap3A_64], %broadcast_in_dim3A_10 {strides = array<i32>} : memref<512xf32, #tpu.memory_space<vmem>>, vector<16xf32>,
    %swap3A_66 = arith.constant 352 : index
    %swap3A_67 = tpu.vector_load %arg11[%swap3A_66] {strides = array<i32>} : memref<512xf32, #tpu.memory_space<vmem>>, vector<16xf32>,
    tpu.vector_store %arg11[%swap3A_66], %broadcast_in_dim3A_10 {strides = array<i32>} : memref<512xf32, #tpu.memory_space<vmem>>, vector<16xf32>,
    %swap3A_68 = arith.constant 368 : index
    %swap3A_69 = tpu.vector_load %arg11[%swap3A_68] {strides = array<i32>} : memref<512xf32, #tpu.memory_space<vmem>>, vector<16xf32>,
    tpu.vector_store %arg11[%swap3A_68], %broadcast_in_dim3A_10 {strides = array<i32>} : memref<512xf32, #tpu.memory_space<vmem>>, vector<16xf32>,
    %swap3A_70 = arith.constant 384 : index
    %swap3A_71 = tpu.vector_load %arg11[%swap3A_70] {strides = array<i32>} : memref<512xf32, #tpu.memory_space<vmem>>, vector<16xf32>,
    tpu.vector_store %arg11[%swap3A_70], %broadcast_in_dim3A_10 {strides = array<i32>} : memref<512xf32, #tpu.memory_space<vmem>>, vector<16xf32>,
    %swap3A_72 = arith.constant 400 : index
    %swap3A_73 = tpu.vector_load %arg11[%swap3A_72] {strides = array<i32>} : memref<512xf32, #tpu.memory_space<vmem>>, vector<16xf32>,
    tpu.vector_store %arg11[%swap3A_72], %broadcast_in_dim3A_10 {strides = array<i32>} : memref<512xf32, #tpu.memory_space<vmem>>, vector<16xf32>,
    %swap3A_74 = arith.constant 416 : index
    %swap3A_75 = tpu.vector_load %arg11[%swap3A_74] {strides = array<i32>} : memref<512xf32, #tpu.memory_space<vmem>>, vector<16xf32>,
    tpu.vector_store %arg11[%swap3A_74], %broadcast_in_dim3A_10 {strides = array<i32>} : memref<512xf32, #tpu.memory_space<vmem>>, vector<16xf32>,
    %swap3A_76 = arith.constant 432 : index
    %swap3A_77 = tpu.vector_load %arg11[%swap3A_76] {strides = array<i32>} : memref<512xf32, #tpu.memory_space<vmem>>, vector<16xf32>,
    tpu.vector_store %arg11[%swap3A_76], %broadcast_in_dim3A_10 {strides = array<i32>} : memref<512xf32, #tpu.memory_space<vmem>>, vector<16xf32>,
    %swap3A_78 = arith.constant 448 : index
    %swap3A_79 = tpu.vector_load %arg11[%swap3A_78] {strides = array<i32>} : memref<512xf32, #tpu.memory_space<vmem>>, vector<16xf32>,
    tpu.vector_store %arg11[%swap3A_78], %broadcast_in_dim3A_10 {strides = array<i32>} : memref<512xf32, #tpu.memory_space<vmem>>, vector<16xf32>,
    %swap3A_80 = arith.constant 464 : index
    %swap3A_81 = tpu.vector_load %arg11[%swap3A_80] {strides = array<i32>} : memref<512xf32, #tpu.memory_space<vmem>>, vector<16xf32>,
    tpu.vector_store %arg11[%swap3A_80], %broadcast_in_dim3A_10 {strides = array<i32>} : memref<512xf32, #tpu.memory_space<vmem>>, vector<16xf32>,
    %swap3A_82 = arith.constant 480 : index
    %swap3A_83 = tpu.vector_load %arg11[%swap3A_82] {strides = array<i32>} : memref<512xf32, #tpu.memory_space<vmem>>, vector<16xf32>,
    tpu.vector_store %arg11[%swap3A_82], %broadcast_in_dim3A_10 {strides = array<i32>} : memref<512xf32, #tpu.memory_space<vmem>>, vector<16xf32>,
    %swap3A_84 = arith.constant 496 : index
    %swap3A_85 = tpu.vector_load %arg11[%swap3A_84] {strides = array<i32>} : memref<512xf32, #tpu.memory_space<vmem>>, vector<16xf32>,
    tpu.vector_store %arg11[%swap3A_84], %broadcast_in_dim3A_10 {strides = array<i32>} : memref<512xf32, #tpu.memory_space<vmem>>, vector<16xf32>,
    %dma_start3A = arith.constant 0 : i32
    %dma_start3A_86 = tpu.memref_slice %arg2[%mul3A_17, %dma_start3A] : memref<8192x512xf32, #tpu.memory_space<hbm>> -> memref<32x512xf32, #tpu.memory_space<hbm>>
    %dma_start3A_87 = arith.constant 0 : i32
    %dma_start3A_88 = tpu.memref_slice %arg2[%mul3A_17, %dma_start3A_87] : memref<8192x512xf32, #tpu.memory_space<hbm>> -> memref<32x512xf32, #tpu.memory_space<hbm>>
    tpu.enqueue_dma source(%dma_start3A_88 : memref<32x512xf32, #tpu.memory_space<hbm>>) target(%arg6 : memref<32x512xf32, #tpu.memory_space<vmem>>) target_semaphore(%arg12 : memref<!tpu.dma_semaphore, #tpu.memory_space<semaphore_mem>>)
    %add3A_89 = arith.constant 32 : i32
    %add3A_90 = arith.addi %mul3A_17, %add3A_89 : i32
    %dma_start3A_91 = arith.constant 0 : i32
    %dma_start3A_92 = tpu.memref_slice %arg2[%add3A_90, %dma_start3A_91] : memref<8192x512xf32, #tpu.memory_space<hbm>> -> memref<32x512xf32, #tpu.memory_space<hbm>>
    %dma_start3A_93 = arith.constant 0 : i32
    %dma_start3A_94 = tpu.memref_slice %arg2[%add3A_90, %dma_start3A_93] : memref<8192x512xf32, #tpu.memory_space<hbm>> -> memref<32x512xf32, #tpu.memory_space<hbm>>
    tpu.enqueue_dma source(%dma_start3A_94 : memref<32x512xf32, #tpu.memory_space<hbm>>) target(%arg7 : memref<32x512xf32, #tpu.memory_space<vmem>>) target_semaphore(%arg13 : memref<!tpu.dma_semaphore, #tpu.memory_space<semaphore_mem>>)
    %scan3A_95 = arith.constant 0 : i32
    %scan3A_96 = arith.constant 0 : i32
    %scan3A_97 = arith.constant 4 : i32
    %scan3A_98 = arith.addi %scan3A_96, %scan3A_97 : i32
    %scan3A_99 = arith.constant 1 : i32
    scf.for %scan3A_112 = %scan3A_96 to %scan3A_98 step %scan3A_99  : i32 {
      %mul3A_113 = arith.constant 2 : i32
      %mul3A_114 = arith.muli %scan3A_112, %mul3A_113 : i32
      %add3A_115 = arith.constant 0 : i32
      %add3A_116 = arith.addi %mul3A_114, %add3A_115 : i32
      %mul3A_117 = arith.constant 32 : i32
      %mul3A_118 = arith.muli %add3A_116, %mul3A_117 : i32
      %add3A_119 = arith.addi %mul3A_17, %mul3A_118 : i32
      %dma_wait3A_120 = arith.constant 0 : i32
      %dma_wait3A_121 = tpu.memref_slice %arg2[%add3A_119, %dma_wait3A_120] : memref<8192x512xf32, #tpu.memory_space<hbm>> -> memref<32x512xf32, #tpu.memory_space<hbm>>
      %dma_wait3A_122 = arith.constant 0 : i32
      %dma_wait3A_123 = tpu.memref_slice %arg2[%add3A_119, %dma_wait3A_122] : memref<8192x512xf32, #tpu.memory_space<hbm>> -> memref<32x512xf32, #tpu.memory_space<hbm>>
      tpu.wait_dma2 semaphore(%arg12 : memref<!tpu.dma_semaphore, #tpu.memory_space<semaphore_mem>>) src(%dma_wait3A_123 : memref<32x512xf32, #tpu.memory_space<hbm>>) dst(%arg6 : memref<32x512xf32, #tpu.memory_space<vmem>>)
      %gt3A = arith.constant 0 : i32
      %gt3A_124 = arith.cmpi sgt, %scan3A_112, %gt3A : i32
      %convert_element_type3A = arith.extui %gt3A_124 : i1 to i32
      %cond3A = arith.constant 0 : i32
      %cond3A_125 = arith.cmpi ne, %convert_element_type3A, %cond3A : i32
      scf.if %cond3A_125 {
        %sub3A = arith.constant 2 : i32
        %sub3A_171 = arith.subi %add3A_116, %sub3A : i32
        %mul3A_172 = arith.constant 32 : i32
        %mul3A_173 = arith.muli %sub3A_171, %mul3A_172 : i32
        %add3A_174 = arith.addi %mul3A_17, %mul3A_173 : i32
        %dma_wait3A_175 = arith.constant 0 : i32
        %dma_wait3A_176 = tpu.memref_slice %arg3[%add3A_174, %dma_wait3A_175] : memref<8192x512xf32, #tpu.memory_space<hbm>> -> memref<32x512xf32, #tpu.memory_space<hbm>>
        %dma_wait3A_177 = arith.constant 0 : i32
        %dma_wait3A_178 = tpu.memref_slice %arg3[%add3A_174, %dma_wait3A_177] : memref<8192x512xf32, #tpu.memory_space<hbm>> -> memref<32x512xf32, #tpu.memory_space<hbm>>
        tpu.wait_dma2 semaphore(%arg14 : memref<!tpu.dma_semaphore, #tpu.memory_space<semaphore_mem>>) src(%arg8 : memref<32x512xf32, #tpu.memory_space<vmem>>) dst(%dma_wait3A_178 : memref<32x512xf32, #tpu.memory_space<hbm>>)
        %sub3A_179 = arith.constant 2 : i32
        %sub3A_180 = arith.subi %add3A_116, %sub3A_179 : i32
        %mul3A_181 = arith.constant 32 : i32
        %mul3A_182 = arith.muli %sub3A_180, %mul3A_181 : i32
        %add3A_183 = arith.constant 0 : i32
        %add3A_184 = arith.addi %mul3A_182, %add3A_183 : i32
        %get3A = arith.index_cast %add3A_184 : i32 to index
        %get3A_185 = tpu.vector_load %arg10[%get3A] {strides = array<i32>} : memref<256xi32, #tpu.memory_space<vmem>>, vector<16xi32>,
        %add3A_186 = arith.constant 0 : i32
        %add3A_187 = vector.broadcast %add3A_186 : i32 to vector<16xi32>
        %add3A_188 = arith.addi %iota3A, %add3A_187 : vector<16xi32>
        tpu.vector_store_idx %arg8[%add3A_188, %get3A_185], %broadcast_in_dim3A_10 : memref<32x512xf32, #tpu.memory_space<vmem>>[vector<16xi32>, vector<16xi32>], vector<16xf32>,
        %sub3A_189 = arith.constant 2 : i32
        %sub3A_190 = arith.subi %add3A_116, %sub3A_189 : i32
        %mul3A_191 = arith.constant 32 : i32
        %mul3A_192 = arith.muli %sub3A_190, %mul3A_191 : i32
        %add3A_193 = arith.constant 16 : i32
        %add3A_194 = arith.addi %mul3A_192, %add3A_193 : i32
        %get3A_195 = arith.index_cast %add3A_194 : i32 to index
        %get3A_196 = tpu.vector_load %arg10[%get3A_195] {strides = array<i32>} : memref<256xi32, #tpu.memory_space<vmem>>, vector<16xi32>,
        %add3A_197 = arith.constant 16 : i32
        %add3A_198 = vector.broadcast %add3A_197 : i32 to vector<16xi32>
        %add3A_199 = arith.addi %iota3A, %add3A_198 : vector<16xi32>
        tpu.vector_store_idx %arg8[%add3A_199, %get3A_196], %broadcast_in_dim3A_10 : memref<32x512xf32, #tpu.memory_space<vmem>>[vector<16xi32>, vector<16xi32>], vector<16xf32>,
      } else {
      }
      %scan3A_126 = arith.constant 0 : i32
      %scan3A_127 = arith.constant 0 : i32
      %scan3A_128 = arith.constant 32 : i32
      %scan3A_129 = arith.addi %scan3A_127, %scan3A_128 : i32
      %scan3A_130 = arith.constant 1 : i32
      scf.for %scan3A_171 = %scan3A_127 to %scan3A_129 step %scan3A_130  : i32 {
        %broadcast_in_dim3A_172 = arith.constant -3.000000e+38 : f32
        %broadcast_in_dim3A_173 = vector.broadcast %broadcast_in_dim3A_172 : f32 to vector<16xf32>
        %broadcast_in_dim3A_174 = arith.constant -3.000000e+38 : f32
        %broadcast_in_dim3A_175 = vector.broadcast %broadcast_in_dim3A_174 : f32 to vector<16xf32>
        %broadcast_in_dim3A_176 = arith.constant -3.000000e+38 : f32
        %broadcast_in_dim3A_177 = vector.broadcast %broadcast_in_dim3A_176 : f32 to vector<16xf32>
        %broadcast_in_dim3A_178 = arith.constant -3.000000e+38 : f32
        %broadcast_in_dim3A_179 = vector.broadcast %broadcast_in_dim3A_178 : f32 to vector<16xf32>
        %broadcast_in_dim3A_180 = arith.constant 0 : i32
        %broadcast_in_dim3A_181 = vector.broadcast %broadcast_in_dim3A_180 : i32 to vector<16xi32>
        %broadcast_in_dim3A_182 = arith.constant 0 : i32
        %broadcast_in_dim3A_183 = vector.broadcast %broadcast_in_dim3A_182 : i32 to vector<16xi32>
        %broadcast_in_dim3A_184 = arith.constant 0 : i32
        %broadcast_in_dim3A_185 = vector.broadcast %broadcast_in_dim3A_184 : i32 to vector<16xi32>
        %broadcast_in_dim3A_186 = arith.constant 0 : i32
        %broadcast_in_dim3A_187 = vector.broadcast %broadcast_in_dim3A_186 : i32 to vector<16xi32>
        %get3A = arith.index_cast %scan3A_171 : i32 to index
        %get3A_188 = arith.constant 0 : index
        %get3A_189 = tpu.vector_load %arg6[%get3A, %get3A_188] {strides = array<i32>} : memref<32x512xf32, #tpu.memory_space<vmem>>, vector<16xf32>,
        %jit3A = arith.constant -3.000000e+38 : f32
        %broadcast_in_dim3A_190 = vector.broadcast %jit3A : f32 to vector<16xf32>
        %select_n3A = arith.select %or3A_9, %broadcast_in_dim3A_190, %get3A_189 : vector<16xi1>, vector<16xf32>
        %gt3A_191 = arith.cmpf ogt, %select_n3A, %broadcast_in_dim3A_173 : vector<16xf32>
        %select_n3A_192 = arith.select %gt3A_191, %select_n3A, %broadcast_in_dim3A_173 : vector<16xi1>, vector<16xf32>
        %broadcast_in_dim3A_193 = arith.constant 0 : i32
        %broadcast_in_dim3A_194 = vector.broadcast %broadcast_in_dim3A_193 : i32 to vector<16xi32>
        %select_n3A_195 = arith.select %gt3A_191, %broadcast_in_dim3A_194, %broadcast_in_dim3A_181 : vector<16xi1>, vector<16xi32>
        %get3A_196 = arith.index_cast %scan3A_171 : i32 to index
        %get3A_197 = arith.constant 16 : index
        %get3A_198 = tpu.vector_load %arg6[%get3A_196, %get3A_197] {strides = array<i32>} : memref<32x512xf32, #tpu.memory_space<vmem>>, vector<16xf32>,
        %gt3A_199 = arith.cmpf ogt, %get3A_198, %select_n3A_192 : vector<16xf32>
        %select_n3A_200 = arith.select %gt3A_199, %get3A_198, %select_n3A_192 : vector<16xi1>, vector<16xf32>
        %broadcast_in_dim3A_201 = arith.constant 1 : i32
        %broadcast_in_dim3A_202 = vector.broadcast %broadcast_in_dim3A_201 : i32 to vector<16xi32>
        %select_n3A_203 = arith.select %gt3A_199, %broadcast_in_dim3A_202, %select_n3A_195 : vector<16xi1>, vector<16xi32>
        %get3A_204 = arith.index_cast %scan3A_171 : i32 to index
        %get3A_205 = arith.constant 32 : index
        %get3A_206 = tpu.vector_load %arg6[%get3A_204, %get3A_205] {strides = array<i32>} : memref<32x512xf32, #tpu.memory_space<vmem>>, vector<16xf32>,
        %gt3A_207 = arith.cmpf ogt, %get3A_206, %select_n3A_200 : vector<16xf32>
        %select_n3A_208 = arith.select %gt3A_207, %get3A_206, %select_n3A_200 : vector<16xi1>, vector<16xf32>
        %broadcast_in_dim3A_209 = arith.constant 2 : i32
        %broadcast_in_dim3A_210 = vector.broadcast %broadcast_in_dim3A_209 : i32 to vector<16xi32>
        %select_n3A_211 = arith.select %gt3A_207, %broadcast_in_dim3A_210, %select_n3A_203 : vector<16xi1>, vector<16xi32>
        %get3A_212 = arith.index_cast %scan3A_171 : i32 to index
        %get3A_213 = arith.constant 48 : index
        %get3A_214 = tpu.vector_load %arg6[%get3A_212, %get3A_213] {strides = array<i32>} : memref<32x512xf32, #tpu.memory_space<vmem>>, vector<16xf32>,
        %gt3A_215 = arith.cmpf ogt, %get3A_214, %select_n3A_208 : vector<16xf32>
        %select_n3A_216 = arith.select %gt3A_215, %get3A_214, %select_n3A_208 : vector<16xi1>, vector<16xf32>
        %broadcast_in_dim3A_217 = arith.constant 3 : i32
        %broadcast_in_dim3A_218 = vector.broadcast %broadcast_in_dim3A_217 : i32 to vector<16xi32>
        %select_n3A_219 = arith.select %gt3A_215, %broadcast_in_dim3A_218, %select_n3A_211 : vector<16xi1>, vector<16xi32>
        %get3A_220 = arith.index_cast %scan3A_171 : i32 to index
        %get3A_221 = arith.constant 64 : index
        %get3A_222 = tpu.vector_load %arg6[%get3A_220, %get3A_221] {strides = array<i32>} : memref<32x512xf32, #tpu.memory_space<vmem>>, vector<16xf32>,
        %gt3A_223 = arith.cmpf ogt, %get3A_222, %select_n3A_216 : vector<16xf32>
        %select_n3A_224 = arith.select %gt3A_223, %get3A_222, %select_n3A_216 : vector<16xi1>, vector<16xf32>
        %broadcast_in_dim3A_225 = arith.constant 4 : i32
        %broadcast_in_dim3A_226 = vector.broadcast %broadcast_in_dim3A_225 : i32 to vector<16xi32>
        %select_n3A_227 = arith.select %gt3A_223, %broadcast_in_dim3A_226, %select_n3A_219 : vector<16xi1>, vector<16xi32>
        %get3A_228 = arith.index_cast %scan3A_171 : i32 to index
        %get3A_229 = arith.constant 80 : index
        %get3A_230 = tpu.vector_load %arg6[%get3A_228, %get3A_229] {strides = array<i32>} : memref<32x512xf32, #tpu.memory_space<vmem>>, vector<16xf32>,
        %gt3A_231 = arith.cmpf ogt, %get3A_230, %select_n3A_224 : vector<16xf32>
        %select_n3A_232 = arith.select %gt3A_231, %get3A_230, %select_n3A_224 : vector<16xi1>, vector<16xf32>
        %broadcast_in_dim3A_233 = arith.constant 5 : i32
        %broadcast_in_dim3A_234 = vector.broadcast %broadcast_in_dim3A_233 : i32 to vector<16xi32>
        %select_n3A_235 = arith.select %gt3A_231, %broadcast_in_dim3A_234, %select_n3A_227 : vector<16xi1>, vector<16xi32>
        %get3A_236 = arith.index_cast %scan3A_171 : i32 to index
        %get3A_237 = arith.constant 96 : index
        %get3A_238 = tpu.vector_load %arg6[%get3A_236, %get3A_237] {strides = array<i32>} : memref<32x512xf32, #tpu.memory_space<vmem>>, vector<16xf32>,
        %gt3A_239 = arith.cmpf ogt, %get3A_238, %select_n3A_232 : vector<16xf32>
        %select_n3A_240 = arith.select %gt3A_239, %get3A_238, %select_n3A_232 : vector<16xi1>, vector<16xf32>
        %broadcast_in_dim3A_241 = arith.constant 6 : i32
        %broadcast_in_dim3A_242 = vector.broadcast %broadcast_in_dim3A_241 : i32 to vector<16xi32>
        %select_n3A_243 = arith.select %gt3A_239, %broadcast_in_dim3A_242, %select_n3A_235 : vector<16xi1>, vector<16xi32>
        %get3A_244 = arith.index_cast %scan3A_171 : i32 to index
        %get3A_245 = arith.constant 112 : index
        %get3A_246 = tpu.vector_load %arg6[%get3A_244, %get3A_245] {strides = array<i32>} : memref<32x512xf32, #tpu.memory_space<vmem>>, vector<16xf32>,
        %gt3A_247 = arith.cmpf ogt, %get3A_246, %select_n3A_240 : vector<16xf32>
        %select_n3A_248 = arith.select %gt3A_247, %get3A_246, %select_n3A_240 : vector<16xi1>, vector<16xf32>
        %broadcast_in_dim3A_249 = arith.constant 7 : i32
        %broadcast_in_dim3A_250 = vector.broadcast %broadcast_in_dim3A_249 : i32 to vector<16xi32>
        %select_n3A_251 = arith.select %gt3A_247, %broadcast_in_dim3A_250, %select_n3A_243 : vector<16xi1>, vector<16xi32>
        %get3A_252 = arith.index_cast %scan3A_171 : i32 to index
        %get3A_253 = arith.constant 128 : index
        %get3A_254 = tpu.vector_load %arg6[%get3A_252, %get3A_253] {strides = array<i32>} : memref<32x512xf32, #tpu.memory_space<vmem>>, vector<16xf32>,
        %gt3A_255 = arith.cmpf ogt, %get3A_254, %broadcast_in_dim3A_175 : vector<16xf32>
        %select_n3A_256 = arith.select %gt3A_255, %get3A_254, %broadcast_in_dim3A_175 : vector<16xi1>, vector<16xf32>
        %broadcast_in_dim3A_257 = arith.constant 8 : i32
        %broadcast_in_dim3A_258 = vector.broadcast %broadcast_in_dim3A_257 : i32 to vector<16xi32>
        %select_n3A_259 = arith.select %gt3A_255, %broadcast_in_dim3A_258, %broadcast_in_dim3A_183 : vector<16xi1>, vector<16xi32>
        %get3A_260 = arith.index_cast %scan3A_171 : i32 to index
        %get3A_261 = arith.constant 144 : index
        %get3A_262 = tpu.vector_load %arg6[%get3A_260, %get3A_261] {strides = array<i32>} : memref<32x512xf32, #tpu.memory_space<vmem>>, vector<16xf32>,
        %gt3A_263 = arith.cmpf ogt, %get3A_262, %select_n3A_256 : vector<16xf32>
        %select_n3A_264 = arith.select %gt3A_263, %get3A_262, %select_n3A_256 : vector<16xi1>, vector<16xf32>
        %broadcast_in_dim3A_265 = arith.constant 9 : i32
        %broadcast_in_dim3A_266 = vector.broadcast %broadcast_in_dim3A_265 : i32 to vector<16xi32>
        %select_n3A_267 = arith.select %gt3A_263, %broadcast_in_dim3A_266, %select_n3A_259 : vector<16xi1>, vector<16xi32>
        %get3A_268 = arith.index_cast %scan3A_171 : i32 to index
        %get3A_269 = arith.constant 160 : index
        %get3A_270 = tpu.vector_load %arg6[%get3A_268, %get3A_269] {strides = array<i32>} : memref<32x512xf32, #tpu.memory_space<vmem>>, vector<16xf32>,
        %gt3A_271 = arith.cmpf ogt, %get3A_270, %select_n3A_264 : vector<16xf32>
        %select_n3A_272 = arith.select %gt3A_271, %get3A_270, %select_n3A_264 : vector<16xi1>, vector<16xf32>
        %broadcast_in_dim3A_273 = arith.constant 10 : i32
        %broadcast_in_dim3A_274 = vector.broadcast %broadcast_in_dim3A_273 : i32 to vector<16xi32>
        %select_n3A_275 = arith.select %gt3A_271, %broadcast_in_dim3A_274, %select_n3A_267 : vector<16xi1>, vector<16xi32>
        %get3A_276 = arith.index_cast %scan3A_171 : i32 to index
        %get3A_277 = arith.constant 176 : index
        %get3A_278 = tpu.vector_load %arg6[%get3A_276, %get3A_277] {strides = array<i32>} : memref<32x512xf32, #tpu.memory_space<vmem>>, vector<16xf32>,
        %gt3A_279 = arith.cmpf ogt, %get3A_278, %select_n3A_272 : vector<16xf32>
        %select_n3A_280 = arith.select %gt3A_279, %get3A_278, %select_n3A_272 : vector<16xi1>, vector<16xf32>
        %broadcast_in_dim3A_281 = arith.constant 11 : i32
        %broadcast_in_dim3A_282 = vector.broadcast %broadcast_in_dim3A_281 : i32 to vector<16xi32>
        %select_n3A_283 = arith.select %gt3A_279, %broadcast_in_dim3A_282, %select_n3A_275 : vector<16xi1>, vector<16xi32>
        %get3A_284 = arith.index_cast %scan3A_171 : i32 to index
        %get3A_285 = arith.constant 192 : index
        %get3A_286 = tpu.vector_load %arg6[%get3A_284, %get3A_285] {strides = array<i32>} : memref<32x512xf32, #tpu.memory_space<vmem>>, vector<16xf32>,
        %gt3A_287 = arith.cmpf ogt, %get3A_286, %select_n3A_280 : vector<16xf32>
        %select_n3A_288 = arith.select %gt3A_287, %get3A_286, %select_n3A_280 : vector<16xi1>, vector<16xf32>
        %broadcast_in_dim3A_289 = arith.constant 12 : i32
        %broadcast_in_dim3A_290 = vector.broadcast %broadcast_in_dim3A_289 : i32 to vector<16xi32>
        %select_n3A_291 = arith.select %gt3A_287, %broadcast_in_dim3A_290, %select_n3A_283 : vector<16xi1>, vector<16xi32>
        %get3A_292 = arith.index_cast %scan3A_171 : i32 to index
        %get3A_293 = arith.constant 208 : index
        %get3A_294 = tpu.vector_load %arg6[%get3A_292, %get3A_293] {strides = array<i32>} : memref<32x512xf32, #tpu.memory_space<vmem>>, vector<16xf32>,
        %gt3A_295 = arith.cmpf ogt, %get3A_294, %select_n3A_288 : vector<16xf32>
        %select_n3A_296 = arith.select %gt3A_295, %get3A_294, %select_n3A_288 : vector<16xi1>, vector<16xf32>
        %broadcast_in_dim3A_297 = arith.constant 13 : i32
        %broadcast_in_dim3A_298 = vector.broadcast %broadcast_in_dim3A_297 : i32 to vector<16xi32>
        %select_n3A_299 = arith.select %gt3A_295, %broadcast_in_dim3A_298, %select_n3A_291 : vector<16xi1>, vector<16xi32>
        %get3A_300 = arith.index_cast %scan3A_171 : i32 to index
        %get3A_301 = arith.constant 224 : index
        %get3A_302 = tpu.vector_load %arg6[%get3A_300, %get3A_301] {strides = array<i32>} : memref<32x512xf32, #tpu.memory_space<vmem>>, vector<16xf32>,
        %gt3A_303 = arith.cmpf ogt, %get3A_302, %select_n3A_296 : vector<16xf32>
        %select_n3A_304 = arith.select %gt3A_303, %get3A_302, %select_n3A_296 : vector<16xi1>, vector<16xf32>
        %broadcast_in_dim3A_305 = arith.constant 14 : i32
        %broadcast_in_dim3A_306 = vector.broadcast %broadcast_in_dim3A_305 : i32 to vector<16xi32>
        %select_n3A_307 = arith.select %gt3A_303, %broadcast_in_dim3A_306, %select_n3A_299 : vector<16xi1>, vector<16xi32>
        %get3A_308 = arith.index_cast %scan3A_171 : i32 to index
        %get3A_309 = arith.constant 240 : index
        %get3A_310 = tpu.vector_load %arg6[%get3A_308, %get3A_309] {strides = array<i32>} : memref<32x512xf32, #tpu.memory_space<vmem>>, vector<16xf32>,
        %gt3A_311 = arith.cmpf ogt, %get3A_310, %select_n3A_304 : vector<16xf32>
        %select_n3A_312 = arith.select %gt3A_311, %get3A_310, %select_n3A_304 : vector<16xi1>, vector<16xf32>
        %broadcast_in_dim3A_313 = arith.constant 15 : i32
        %broadcast_in_dim3A_314 = vector.broadcast %broadcast_in_dim3A_313 : i32 to vector<16xi32>
        %select_n3A_315 = arith.select %gt3A_311, %broadcast_in_dim3A_314, %select_n3A_307 : vector<16xi1>, vector<16xi32>
        %get3A_316 = arith.index_cast %scan3A_171 : i32 to index
        %get3A_317 = arith.constant 256 : index
        %get3A_318 = tpu.vector_load %arg6[%get3A_316, %get3A_317] {strides = array<i32>} : memref<32x512xf32, #tpu.memory_space<vmem>>, vector<16xf32>,
        %gt3A_319 = arith.cmpf ogt, %get3A_318, %broadcast_in_dim3A_177 : vector<16xf32>
        %select_n3A_320 = arith.select %gt3A_319, %get3A_318, %broadcast_in_dim3A_177 : vector<16xi1>, vector<16xf32>
        %broadcast_in_dim3A_321 = arith.constant 16 : i32
        %broadcast_in_dim3A_322 = vector.broadcast %broadcast_in_dim3A_321 : i32 to vector<16xi32>
        %select_n3A_323 = arith.select %gt3A_319, %broadcast_in_dim3A_322, %broadcast_in_dim3A_185 : vector<16xi1>, vector<16xi32>
        %get3A_324 = arith.index_cast %scan3A_171 : i32 to index
        %get3A_325 = arith.constant 272 : index
        %get3A_326 = tpu.vector_load %arg6[%get3A_324, %get3A_325] {strides = array<i32>} : memref<32x512xf32, #tpu.memory_space<vmem>>, vector<16xf32>,
        %gt3A_327 = arith.cmpf ogt, %get3A_326, %select_n3A_320 : vector<16xf32>
        %select_n3A_328 = arith.select %gt3A_327, %get3A_326, %select_n3A_320 : vector<16xi1>, vector<16xf32>
        %broadcast_in_dim3A_329 = arith.constant 17 : i32
        %broadcast_in_dim3A_330 = vector.broadcast %broadcast_in_dim3A_329 : i32 to vector<16xi32>
        %select_n3A_331 = arith.select %gt3A_327, %broadcast_in_dim3A_330, %select_n3A_323 : vector<16xi1>, vector<16xi32>
        %get3A_332 = arith.index_cast %scan3A_171 : i32 to index
        %get3A_333 = arith.constant 288 : index
        %get3A_334 = tpu.vector_load %arg6[%get3A_332, %get3A_333] {strides = array<i32>} : memref<32x512xf32, #tpu.memory_space<vmem>>, vector<16xf32>,
        %gt3A_335 = arith.cmpf ogt, %get3A_334, %select_n3A_328 : vector<16xf32>
        %select_n3A_336 = arith.select %gt3A_335, %get3A_334, %select_n3A_328 : vector<16xi1>, vector<16xf32>
        %broadcast_in_dim3A_337 = arith.constant 18 : i32
        %broadcast_in_dim3A_338 = vector.broadcast %broadcast_in_dim3A_337 : i32 to vector<16xi32>
        %select_n3A_339 = arith.select %gt3A_335, %broadcast_in_dim3A_338, %select_n3A_331 : vector<16xi1>, vector<16xi32>
        %get3A_340 = arith.index_cast %scan3A_171 : i32 to index
        %get3A_341 = arith.constant 304 : index
        %get3A_342 = tpu.vector_load %arg6[%get3A_340, %get3A_341] {strides = array<i32>} : memref<32x512xf32, #tpu.memory_space<vmem>>, vector<16xf32>,
        %gt3A_343 = arith.cmpf ogt, %get3A_342, %select_n3A_336 : vector<16xf32>
        %select_n3A_344 = arith.select %gt3A_343, %get3A_342, %select_n3A_336 : vector<16xi1>, vector<16xf32>
        %broadcast_in_dim3A_345 = arith.constant 19 : i32
        %broadcast_in_dim3A_346 = vector.broadcast %broadcast_in_dim3A_345 : i32 to vector<16xi32>
        %select_n3A_347 = arith.select %gt3A_343, %broadcast_in_dim3A_346, %select_n3A_339 : vector<16xi1>, vector<16xi32>
        %get3A_348 = arith.index_cast %scan3A_171 : i32 to index
        %get3A_349 = arith.constant 320 : index
        %get3A_350 = tpu.vector_load %arg6[%get3A_348, %get3A_349] {strides = array<i32>} : memref<32x512xf32, #tpu.memory_space<vmem>>, vector<16xf32>,
        %gt3A_351 = arith.cmpf ogt, %get3A_350, %select_n3A_344 : vector<16xf32>
        %select_n3A_352 = arith.select %gt3A_351, %get3A_350, %select_n3A_344 : vector<16xi1>, vector<16xf32>
        %broadcast_in_dim3A_353 = arith.constant 20 : i32
        %broadcast_in_dim3A_354 = vector.broadcast %broadcast_in_dim3A_353 : i32 to vector<16xi32>
        %select_n3A_355 = arith.select %gt3A_351, %broadcast_in_dim3A_354, %select_n3A_347 : vector<16xi1>, vector<16xi32>
        %get3A_356 = arith.index_cast %scan3A_171 : i32 to index
        %get3A_357 = arith.constant 336 : index
        %get3A_358 = tpu.vector_load %arg6[%get3A_356, %get3A_357] {strides = array<i32>} : memref<32x512xf32, #tpu.memory_space<vmem>>, vector<16xf32>,
        %gt3A_359 = arith.cmpf ogt, %get3A_358, %select_n3A_352 : vector<16xf32>
        %select_n3A_360 = arith.select %gt3A_359, %get3A_358, %select_n3A_352 : vector<16xi1>, vector<16xf32>
        %broadcast_in_dim3A_361 = arith.constant 21 : i32
        %broadcast_in_dim3A_362 = vector.broadcast %broadcast_in_dim3A_361 : i32 to vector<16xi32>
        %select_n3A_363 = arith.select %gt3A_359, %broadcast_in_dim3A_362, %select_n3A_355 : vector<16xi1>, vector<16xi32>
        %get3A_364 = arith.index_cast %scan3A_171 : i32 to index
        %get3A_365 = arith.constant 352 : index
        %get3A_366 = tpu.vector_load %arg6[%get3A_364, %get3A_365] {strides = array<i32>} : memref<32x512xf32, #tpu.memory_space<vmem>>, vector<16xf32>,
        %gt3A_367 = arith.cmpf ogt, %get3A_366, %select_n3A_360 : vector<16xf32>
        %select_n3A_368 = arith.select %gt3A_367, %get3A_366, %select_n3A_360 : vector<16xi1>, vector<16xf32>
        %broadcast_in_dim3A_369 = arith.constant 22 : i32
        %broadcast_in_dim3A_370 = vector.broadcast %broadcast_in_dim3A_369 : i32 to vector<16xi32>
        %select_n3A_371 = arith.select %gt3A_367, %broadcast_in_dim3A_370, %select_n3A_363 : vector<16xi1>, vector<16xi32>
        %get3A_372 = arith.index_cast %scan3A_171 : i32 to index
        %get3A_373 = arith.constant 368 : index
        %get3A_374 = tpu.vector_load %arg6[%get3A_372, %get3A_373] {strides = array<i32>} : memref<32x512xf32, #tpu.memory_space<vmem>>, vector<16xf32>,
        %gt3A_375 = arith.cmpf ogt, %get3A_374, %select_n3A_368 : vector<16xf32>
        %select_n3A_376 = arith.select %gt3A_375, %get3A_374, %select_n3A_368 : vector<16xi1>, vector<16xf32>
        %broadcast_in_dim3A_377 = arith.constant 23 : i32
        %broadcast_in_dim3A_378 = vector.broadcast %broadcast_in_dim3A_377 : i32 to vector<16xi32>
        %select_n3A_379 = arith.select %gt3A_375, %broadcast_in_dim3A_378, %select_n3A_371 : vector<16xi1>, vector<16xi32>
        %get3A_380 = arith.index_cast %scan3A_171 : i32 to index
        %get3A_381 = arith.constant 384 : index
        %get3A_382 = tpu.vector_load %arg6[%get3A_380, %get3A_381] {strides = array<i32>} : memref<32x512xf32, #tpu.memory_space<vmem>>, vector<16xf32>,
        %gt3A_383 = arith.cmpf ogt, %get3A_382, %broadcast_in_dim3A_179 : vector<16xf32>
        %select_n3A_384 = arith.select %gt3A_383, %get3A_382, %broadcast_in_dim3A_179 : vector<16xi1>, vector<16xf32>
        %broadcast_in_dim3A_385 = arith.constant 24 : i32
        %broadcast_in_dim3A_386 = vector.broadcast %broadcast_in_dim3A_385 : i32 to vector<16xi32>
        %select_n3A_387 = arith.select %gt3A_383, %broadcast_in_dim3A_386, %broadcast_in_dim3A_187 : vector<16xi1>, vector<16xi32>
        %get3A_388 = arith.index_cast %scan3A_171 : i32 to index
        %get3A_389 = arith.constant 400 : index
        %get3A_390 = tpu.vector_load %arg6[%get3A_388, %get3A_389] {strides = array<i32>} : memref<32x512xf32, #tpu.memory_space<vmem>>, vector<16xf32>,
        %gt3A_391 = arith.cmpf ogt, %get3A_390, %select_n3A_384 : vector<16xf32>
        %select_n3A_392 = arith.select %gt3A_391, %get3A_390, %select_n3A_384 : vector<16xi1>, vector<16xf32>
        %broadcast_in_dim3A_393 = arith.constant 25 : i32
        %broadcast_in_dim3A_394 = vector.broadcast %broadcast_in_dim3A_393 : i32 to vector<16xi32>
        %select_n3A_395 = arith.select %gt3A_391, %broadcast_in_dim3A_394, %select_n3A_387 : vector<16xi1>, vector<16xi32>
        %get3A_396 = arith.index_cast %scan3A_171 : i32 to index
        %get3A_397 = arith.constant 416 : index
        %get3A_398 = tpu.vector_load %arg6[%get3A_396, %get3A_397] {strides = array<i32>} : memref<32x512xf32, #tpu.memory_space<vmem>>, vector<16xf32>,
        %gt3A_399 = arith.cmpf ogt, %get3A_398, %select_n3A_392 : vector<16xf32>
        %select_n3A_400 = arith.select %gt3A_399, %get3A_398, %select_n3A_392 : vector<16xi1>, vector<16xf32>
        %broadcast_in_dim3A_401 = arith.constant 26 : i32
        %broadcast_in_dim3A_402 = vector.broadcast %broadcast_in_dim3A_401 : i32 to vector<16xi32>
        %select_n3A_403 = arith.select %gt3A_399, %broadcast_in_dim3A_402, %select_n3A_395 : vector<16xi1>, vector<16xi32>
        %get3A_404 = arith.index_cast %scan3A_171 : i32 to index
        %get3A_405 = arith.constant 432 : index
        %get3A_406 = tpu.vector_load %arg6[%get3A_404, %get3A_405] {strides = array<i32>} : memref<32x512xf32, #tpu.memory_space<vmem>>, vector<16xf32>,
        %gt3A_407 = arith.cmpf ogt, %get3A_406, %select_n3A_400 : vector<16xf32>
        %select_n3A_408 = arith.select %gt3A_407, %get3A_406, %select_n3A_400 : vector<16xi1>, vector<16xf32>
        %broadcast_in_dim3A_409 = arith.constant 27 : i32
        %broadcast_in_dim3A_410 = vector.broadcast %broadcast_in_dim3A_409 : i32 to vector<16xi32>
        %select_n3A_411 = arith.select %gt3A_407, %broadcast_in_dim3A_410, %select_n3A_403 : vector<16xi1>, vector<16xi32>
        %get3A_412 = arith.index_cast %scan3A_171 : i32 to index
        %get3A_413 = arith.constant 448 : index
        %get3A_414 = tpu.vector_load %arg6[%get3A_412, %get3A_413] {strides = array<i32>} : memref<32x512xf32, #tpu.memory_space<vmem>>, vector<16xf32>,
        %gt3A_415 = arith.cmpf ogt, %get3A_414, %select_n3A_408 : vector<16xf32>
        %select_n3A_416 = arith.select %gt3A_415, %get3A_414, %select_n3A_408 : vector<16xi1>, vector<16xf32>
        %broadcast_in_dim3A_417 = arith.constant 28 : i32
        %broadcast_in_dim3A_418 = vector.broadcast %broadcast_in_dim3A_417 : i32 to vector<16xi32>
        %select_n3A_419 = arith.select %gt3A_415, %broadcast_in_dim3A_418, %select_n3A_411 : vector<16xi1>, vector<16xi32>
        %get3A_420 = arith.index_cast %scan3A_171 : i32 to index
        %get3A_421 = arith.constant 464 : index
        %get3A_422 = tpu.vector_load %arg6[%get3A_420, %get3A_421] {strides = array<i32>} : memref<32x512xf32, #tpu.memory_space<vmem>>, vector<16xf32>,
        %gt3A_423 = arith.cmpf ogt, %get3A_422, %select_n3A_416 : vector<16xf32>
        %select_n3A_424 = arith.select %gt3A_423, %get3A_422, %select_n3A_416 : vector<16xi1>, vector<16xf32>
        %broadcast_in_dim3A_425 = arith.constant 29 : i32
        %broadcast_in_dim3A_426 = vector.broadcast %broadcast_in_dim3A_425 : i32 to vector<16xi32>
        %select_n3A_427 = arith.select %gt3A_423, %broadcast_in_dim3A_426, %select_n3A_419 : vector<16xi1>, vector<16xi32>
        %get3A_428 = arith.index_cast %scan3A_171 : i32 to index
        %get3A_429 = arith.constant 480 : index
        %get3A_430 = tpu.vector_load %arg6[%get3A_428, %get3A_429] {strides = array<i32>} : memref<32x512xf32, #tpu.memory_space<vmem>>, vector<16xf32>,
        %gt3A_431 = arith.cmpf ogt, %get3A_430, %select_n3A_424 : vector<16xf32>
        %select_n3A_432 = arith.select %gt3A_431, %get3A_430, %select_n3A_424 : vector<16xi1>, vector<16xf32>
        %broadcast_in_dim3A_433 = arith.constant 30 : i32
        %broadcast_in_dim3A_434 = vector.broadcast %broadcast_in_dim3A_433 : i32 to vector<16xi32>
        %select_n3A_435 = arith.select %gt3A_431, %broadcast_in_dim3A_434, %select_n3A_427 : vector<16xi1>, vector<16xi32>
        %get3A_436 = arith.index_cast %scan3A_171 : i32 to index
        %get3A_437 = arith.constant 496 : index
        %get3A_438 = tpu.vector_load %arg6[%get3A_436, %get3A_437] {strides = array<i32>} : memref<32x512xf32, #tpu.memory_space<vmem>>, vector<16xf32>,
        %gt3A_439 = arith.cmpf ogt, %get3A_438, %select_n3A_432 : vector<16xf32>
        %select_n3A_440 = arith.select %gt3A_439, %get3A_438, %select_n3A_432 : vector<16xi1>, vector<16xf32>
        %broadcast_in_dim3A_441 = arith.constant 31 : i32
        %broadcast_in_dim3A_442 = vector.broadcast %broadcast_in_dim3A_441 : i32 to vector<16xi32>
        %select_n3A_443 = arith.select %gt3A_439, %broadcast_in_dim3A_442, %select_n3A_435 : vector<16xi1>, vector<16xi32>
        %gt3A_444 = arith.cmpf ogt, %select_n3A_312, %select_n3A_248 : vector<16xf32>
        %select_n3A_445 = arith.select %gt3A_444, %select_n3A_312, %select_n3A_248 : vector<16xi1>, vector<16xf32>
        %select_n3A_446 = arith.select %gt3A_444, %select_n3A_315, %select_n3A_251 : vector<16xi1>, vector<16xi32>
        %gt3A_447 = arith.cmpf ogt, %select_n3A_440, %select_n3A_376 : vector<16xf32>
        %select_n3A_448 = arith.select %gt3A_447, %select_n3A_440, %select_n3A_376 : vector<16xi1>, vector<16xf32>
        %select_n3A_449 = arith.select %gt3A_447, %select_n3A_443, %select_n3A_379 : vector<16xi1>, vector<16xi32>
        %gt3A_450 = arith.cmpf ogt, %select_n3A_448, %select_n3A_445 : vector<16xf32>
        %select_n3A_451 = arith.select %gt3A_450, %select_n3A_448, %select_n3A_445 : vector<16xi1>, vector<16xf32>
        %select_n3A_452 = arith.select %gt3A_450, %select_n3A_449, %select_n3A_446 : vector<16xi1>, vector<16xi32>
        %add3A_453 = arith.constant 1 : i32
        %add3A_454 = vector.broadcast %add3A_453 : i32 to vector<16xi32>
        %add3A_455 = arith.addi %iota3A, %add3A_454 : vector<16xi32>
        %and3A = arith.constant 15 : i32
        %and3A_456 = vector.broadcast %and3A : i32 to vector<16xi32>
        %and3A_457 = arith.andi %add3A_455, %and3A_456 : vector<16xi32>
        %lt3A_458 = arith.constant 0 : i32
        %lt3A_459 = vector.broadcast %lt3A_458 : i32 to vector<16xi32>
        %lt3A_460 = arith.cmpi slt, %and3A_457, %lt3A_459 : vector<16xi32>
        %add3A_461 = arith.constant 16 : i32
        %add3A_462 = vector.broadcast %add3A_461 : i32 to vector<16xi32>
        %add3A_463 = arith.addi %and3A_457, %add3A_462 : vector<16xi32>
        %select_n3A_464 = arith.select %lt3A_460, %add3A_463, %and3A_457 : vector<16xi1>, vector<16xi32>
        %broadcast_in_dim3A_465 = vector.shape_cast %select_n3A_464 : vector<16xi32> to vector<16x1xi32>
        %gather3A = vector.shape_cast %broadcast_in_dim3A_465 : vector<16x1xi32> to vector<16xi32>
        %gather3A_466 = tpu.dynamic_gather %select_n3A_451[%gather3A] in [0] : vector<16xf32>, vector<16xi32> -> vector<16xf32>
        %max3A = arith.maximumf %select_n3A_451, %gather3A_466 : vector<16xf32>
        %add3A_467 = arith.constant 2 : i32
        %add3A_468 = vector.broadcast %add3A_467 : i32 to vector<16xi32>
        %add3A_469 = arith.addi %iota3A, %add3A_468 : vector<16xi32>
        %and3A_470 = arith.constant 15 : i32
        %and3A_471 = vector.broadcast %and3A_470 : i32 to vector<16xi32>
        %and3A_472 = arith.andi %add3A_469, %and3A_471 : vector<16xi32>
        %lt3A_473 = arith.constant 0 : i32
        %lt3A_474 = vector.broadcast %lt3A_473 : i32 to vector<16xi32>
        %lt3A_475 = arith.cmpi slt, %and3A_472, %lt3A_474 : vector<16xi32>
        %add3A_476 = arith.constant 16 : i32
        %add3A_477 = vector.broadcast %add3A_476 : i32 to vector<16xi32>
        %add3A_478 = arith.addi %and3A_472, %add3A_477 : vector<16xi32>
        %select_n3A_479 = arith.select %lt3A_475, %add3A_478, %and3A_472 : vector<16xi1>, vector<16xi32>
        %broadcast_in_dim3A_480 = vector.shape_cast %select_n3A_479 : vector<16xi32> to vector<16x1xi32>
        %gather3A_481 = vector.shape_cast %broadcast_in_dim3A_480 : vector<16x1xi32> to vector<16xi32>
        %gather3A_482 = tpu.dynamic_gather %max3A[%gather3A_481] in [0] : vector<16xf32>, vector<16xi32> -> vector<16xf32>
        %max3A_483 = arith.maximumf %max3A, %gather3A_482 : vector<16xf32>
        %add3A_484 = arith.constant 4 : i32
        %add3A_485 = vector.broadcast %add3A_484 : i32 to vector<16xi32>
        %add3A_486 = arith.addi %iota3A, %add3A_485 : vector<16xi32>
        %and3A_487 = arith.constant 15 : i32
        %and3A_488 = vector.broadcast %and3A_487 : i32 to vector<16xi32>
        %and3A_489 = arith.andi %add3A_486, %and3A_488 : vector<16xi32>
        %lt3A_490 = arith.constant 0 : i32
        %lt3A_491 = vector.broadcast %lt3A_490 : i32 to vector<16xi32>
        %lt3A_492 = arith.cmpi slt, %and3A_489, %lt3A_491 : vector<16xi32>
        %add3A_493 = arith.constant 16 : i32
        %add3A_494 = vector.broadcast %add3A_493 : i32 to vector<16xi32>
        %add3A_495 = arith.addi %and3A_489, %add3A_494 : vector<16xi32>
        %select_n3A_496 = arith.select %lt3A_492, %add3A_495, %and3A_489 : vector<16xi1>, vector<16xi32>
        %broadcast_in_dim3A_497 = vector.shape_cast %select_n3A_496 : vector<16xi32> to vector<16x1xi32>
        %gather3A_498 = vector.shape_cast %broadcast_in_dim3A_497 : vector<16x1xi32> to vector<16xi32>
        %gather3A_499 = tpu.dynamic_gather %max3A_483[%gather3A_498] in [0] : vector<16xf32>, vector<16xi32> -> vector<16xf32>
        %max3A_500 = arith.maximumf %max3A_483, %gather3A_499 : vector<16xf32>
        %add3A_501 = arith.constant 8 : i32
        %add3A_502 = vector.broadcast %add3A_501 : i32 to vector<16xi32>
        %add3A_503 = arith.addi %iota3A, %add3A_502 : vector<16xi32>
        %and3A_504 = arith.constant 15 : i32
        %and3A_505 = vector.broadcast %and3A_504 : i32 to vector<16xi32>
        %and3A_506 = arith.andi %add3A_503, %and3A_505 : vector<16xi32>
        %lt3A_507 = arith.constant 0 : i32
        %lt3A_508 = vector.broadcast %lt3A_507 : i32 to vector<16xi32>
        %lt3A_509 = arith.cmpi slt, %and3A_506, %lt3A_508 : vector<16xi32>
        %add3A_510 = arith.constant 16 : i32
        %add3A_511 = vector.broadcast %add3A_510 : i32 to vector<16xi32>
        %add3A_512 = arith.addi %and3A_506, %add3A_511 : vector<16xi32>
        %select_n3A_513 = arith.select %lt3A_509, %add3A_512, %and3A_506 : vector<16xi1>, vector<16xi32>
        %broadcast_in_dim3A_514 = vector.shape_cast %select_n3A_513 : vector<16xi32> to vector<16x1xi32>
        %gather3A_515 = vector.shape_cast %broadcast_in_dim3A_514 : vector<16x1xi32> to vector<16xi32>
        %gather3A_516 = tpu.dynamic_gather %max3A_500[%gather3A_515] in [0] : vector<16xf32>, vector<16xi32> -> vector<16xf32>
        %max3A_517 = arith.maximumf %max3A_500, %gather3A_516 : vector<16xf32>
        %eq3A_518 = arith.cmpf oeq, %select_n3A_451, %max3A_517 : vector<16xf32>
        %mul3A_519 = arith.constant 16 : i32
        %mul3A_520 = vector.broadcast %mul3A_519 : i32 to vector<16xi32>
        %mul3A_521 = arith.muli %select_n3A_452, %mul3A_520 : vector<16xi32>
        %add3A_522 = arith.addi %mul3A_521, %iota3A : vector<16xi32>
        %jit3A_523 = arith.constant 1048576 : i32
        %broadcast_in_dim3A_524 = vector.broadcast %jit3A_523 : i32 to vector<16xi32>
        %select_n3A_525 = arith.select %eq3A_518, %add3A_522, %broadcast_in_dim3A_524 : vector<16xi1>, vector<16xi32>
        %add3A_526 = arith.constant 1 : i32
        %add3A_527 = vector.broadcast %add3A_526 : i32 to vector<16xi32>
        %add3A_528 = arith.addi %iota3A, %add3A_527 : vector<16xi32>
        %and3A_529 = arith.constant 15 : i32
        %and3A_530 = vector.broadcast %and3A_529 : i32 to vector<16xi32>
        %and3A_531 = arith.andi %add3A_528, %and3A_530 : vector<16xi32>
        %lt3A_532 = arith.constant 0 : i32
        %lt3A_533 = vector.broadcast %lt3A_532 : i32 to vector<16xi32>
        %lt3A_534 = arith.cmpi slt, %and3A_531, %lt3A_533 : vector<16xi32>
        %add3A_535 = arith.constant 16 : i32
        %add3A_536 = vector.broadcast %add3A_535 : i32 to vector<16xi32>
        %add3A_537 = arith.addi %and3A_531, %add3A_536 : vector<16xi32>
        %select_n3A_538 = arith.select %lt3A_534, %add3A_537, %and3A_531 : vector<16xi1>, vector<16xi32>
        %broadcast_in_dim3A_539 = vector.shape_cast %select_n3A_538 : vector<16xi32> to vector<16x1xi32>
        %gather3A_540 = vector.shape_cast %broadcast_in_dim3A_539 : vector<16x1xi32> to vector<16xi32>
        %gather3A_541 = tpu.dynamic_gather %select_n3A_525[%gather3A_540] in [0] : vector<16xi32>, vector<16xi32> -> vector<16xi32>
        %min3A = arith.minsi %select_n3A_525, %gather3A_541 : vector<16xi32>
        %add3A_542 = arith.constant 2 : i32
        %add3A_543 = vector.broadcast %add3A_542 : i32 to vector<16xi32>
        %add3A_544 = arith.addi %iota3A, %add3A_543 : vector<16xi32>
        %and3A_545 = arith.constant 15 : i32
        %and3A_546 = vector.broadcast %and3A_545 : i32 to vector<16xi32>
        %and3A_547 = arith.andi %add3A_544, %and3A_546 : vector<16xi32>
        %lt3A_548 = arith.constant 0 : i32
        %lt3A_549 = vector.broadcast %lt3A_548 : i32 to vector<16xi32>
        %lt3A_550 = arith.cmpi slt, %and3A_547, %lt3A_549 : vector<16xi32>
        %add3A_551 = arith.constant 16 : i32
        %add3A_552 = vector.broadcast %add3A_551 : i32 to vector<16xi32>
        %add3A_553 = arith.addi %and3A_547, %add3A_552 : vector<16xi32>
        %select_n3A_554 = arith.select %lt3A_550, %add3A_553, %and3A_547 : vector<16xi1>, vector<16xi32>
        %broadcast_in_dim3A_555 = vector.shape_cast %select_n3A_554 : vector<16xi32> to vector<16x1xi32>
        %gather3A_556 = vector.shape_cast %broadcast_in_dim3A_555 : vector<16x1xi32> to vector<16xi32>
        %gather3A_557 = tpu.dynamic_gather %min3A[%gather3A_556] in [0] : vector<16xi32>, vector<16xi32> -> vector<16xi32>
        %min3A_558 = arith.minsi %min3A, %gather3A_557 : vector<16xi32>
        %add3A_559 = arith.constant 4 : i32
        %add3A_560 = vector.broadcast %add3A_559 : i32 to vector<16xi32>
        %add3A_561 = arith.addi %iota3A, %add3A_560 : vector<16xi32>
        %and3A_562 = arith.constant 15 : i32
        %and3A_563 = vector.broadcast %and3A_562 : i32 to vector<16xi32>
        %and3A_564 = arith.andi %add3A_561, %and3A_563 : vector<16xi32>
        %lt3A_565 = arith.constant 0 : i32
        %lt3A_566 = vector.broadcast %lt3A_565 : i32 to vector<16xi32>
        %lt3A_567 = arith.cmpi slt, %and3A_564, %lt3A_566 : vector<16xi32>
        %add3A_568 = arith.constant 16 : i32
        %add3A_569 = vector.broadcast %add3A_568 : i32 to vector<16xi32>
        %add3A_570 = arith.addi %and3A_564, %add3A_569 : vector<16xi32>
        %select_n3A_571 = arith.select %lt3A_567, %add3A_570, %and3A_564 : vector<16xi1>, vector<16xi32>
        %broadcast_in_dim3A_572 = vector.shape_cast %select_n3A_571 : vector<16xi32> to vector<16x1xi32>
        %gather3A_573 = vector.shape_cast %broadcast_in_dim3A_572 : vector<16x1xi32> to vector<16xi32>
        %gather3A_574 = tpu.dynamic_gather %min3A_558[%gather3A_573] in [0] : vector<16xi32>, vector<16xi32> -> vector<16xi32>
        %min3A_575 = arith.minsi %min3A_558, %gather3A_574 : vector<16xi32>
        %add3A_576 = arith.constant 8 : i32
        %add3A_577 = vector.broadcast %add3A_576 : i32 to vector<16xi32>
        %add3A_578 = arith.addi %iota3A, %add3A_577 : vector<16xi32>
        %and3A_579 = arith.constant 15 : i32
        %and3A_580 = vector.broadcast %and3A_579 : i32 to vector<16xi32>
        %and3A_581 = arith.andi %add3A_578, %and3A_580 : vector<16xi32>
        %lt3A_582 = arith.constant 0 : i32
        %lt3A_583 = vector.broadcast %lt3A_582 : i32 to vector<16xi32>
        %lt3A_584 = arith.cmpi slt, %and3A_581, %lt3A_583 : vector<16xi32>
        %add3A_585 = arith.constant 16 : i32
        %add3A_586 = vector.broadcast %add3A_585 : i32 to vector<16xi32>
        %add3A_587 = arith.addi %and3A_581, %add3A_586 : vector<16xi32>
        %select_n3A_588 = arith.select %lt3A_584, %add3A_587, %and3A_581 : vector<16xi1>, vector<16xi32>
        %broadcast_in_dim3A_589 = vector.shape_cast %select_n3A_588 : vector<16xi32> to vector<16x1xi32>
        %gather3A_590 = vector.shape_cast %broadcast_in_dim3A_589 : vector<16x1xi32> to vector<16xi32>
        %gather3A_591 = tpu.dynamic_gather %min3A_575[%gather3A_590] in [0] : vector<16xi32>, vector<16xi32> -> vector<16xi32>
        %min3A_592 = arith.minsi %min3A_575, %gather3A_591 : vector<16xi32>
        %gather3A_593 = tpu.vector_load_idx %arg11[%min3A_592] : memref<512xf32, #tpu.memory_space<vmem>>[vector<16xi32>], vector<16xf32>,
        %add3A_594 = arith.constant 1.000000e+00 : f32
        %add3A_595 = vector.broadcast %add3A_594 : f32 to vector<16xf32>
        %add3A_596 = arith.addf %gather3A_593, %add3A_595 : vector<16xf32>
        tpu.vector_store_idx %arg11[%min3A_592], %add3A_596 masked %eq3A_15 : memref<512xf32, #tpu.memory_space<vmem>>[vector<16xi32>], vector<16xf32>, vector<16xi1>
        %mul3A_597 = arith.constant 32 : i32
        %mul3A_598 = arith.muli %add3A_116, %mul3A_597 : i32
        %add3A_599 = arith.addi %mul3A_598, %scan3A_171 : i32
        %broadcast_in_dim3A_600 = vector.broadcast %add3A_599 : i32 to vector<16xi32>
        tpu.vector_store_idx %arg10[%broadcast_in_dim3A_600], %min3A_592 masked %eq3A_15 : memref<256xi32, #tpu.memory_space<vmem>>[vector<16xi32>], vector<16xi32>, vector<16xi1>
        %broadcast_in_dim3A_601 = vector.broadcast %scan3A_171 : i32 to vector<16xi32>
        tpu.vector_store_idx %arg8[%broadcast_in_dim3A_601, %min3A_592], %broadcast_in_dim3A_12 masked %eq3A_15 : memref<32x512xf32, #tpu.memory_space<vmem>>[vector<16xi32>, vector<16xi32>], vector<16xf32>, vector<16xi1>
      }
      %scan3A_131 = arith.constant 32 : i32
      %dma_start3A_132 = arith.constant 0 : i32
      %dma_start3A_133 = tpu.memref_slice %arg3[%add3A_119, %dma_start3A_132] : memref<8192x512xf32, #tpu.memory_space<hbm>> -> memref<32x512xf32, #tpu.memory_space<hbm>>
      %dma_start3A_134 = arith.constant 0 : i32
      %dma_start3A_135 = tpu.memref_slice %arg3[%add3A_119, %dma_start3A_134] : memref<8192x512xf32, #tpu.memory_space<hbm>> -> memref<32x512xf32, #tpu.memory_space<hbm>>
      tpu.enqueue_dma source(%arg8 : memref<32x512xf32, #tpu.memory_space<vmem>>) target(%dma_start3A_135 : memref<32x512xf32, #tpu.memory_space<hbm>>) target_semaphore(%arg14 : memref<!tpu.dma_semaphore, #tpu.memory_space<semaphore_mem>>)
      %lt3A = arith.constant 3 : i32
      %lt3A_136 = arith.cmpi slt, %scan3A_112, %lt3A : i32
      %convert_element_type3A_137 = arith.extui %lt3A_136 : i1 to i32
      %cond3A_138 = arith.constant 0 : i32
      %cond3A_139 = arith.cmpi ne, %convert_element_type3A_137, %cond3A_138 : i32
      scf.if %cond3A_139 {
        %add3A_171 = arith.constant 2 : i32
        %add3A_172 = arith.addi %add3A_116, %add3A_171 : i32
        %mul3A_173 = arith.constant 32 : i32
        %mul3A_174 = arith.muli %add3A_172, %mul3A_173 : i32
        %add3A_175 = arith.addi %mul3A_17, %mul3A_174 : i32
        %dma_start3A_176 = arith.constant 0 : i32
        %dma_start3A_177 = tpu.memref_slice %arg2[%add3A_175, %dma_start3A_176] : memref<8192x512xf32, #tpu.memory_space<hbm>> -> memref<32x512xf32, #tpu.memory_space<hbm>>
        %dma_start3A_178 = arith.constant 0 : i32
        %dma_start3A_179 = tpu.memref_slice %arg2[%add3A_175, %dma_start3A_178] : memref<8192x512xf32, #tpu.memory_space<hbm>> -> memref<32x512xf32, #tpu.memory_space<hbm>>
        tpu.enqueue_dma source(%dma_start3A_179 : memref<32x512xf32, #tpu.memory_space<hbm>>) target(%arg6 : memref<32x512xf32, #tpu.memory_space<vmem>>) target_semaphore(%arg12 : memref<!tpu.dma_semaphore, #tpu.memory_space<semaphore_mem>>)
      } else {
      }
      %mul3A_140 = arith.constant 2 : i32
      %mul3A_141 = arith.muli %scan3A_112, %mul3A_140 : i32
      %add3A_142 = arith.constant 1 : i32
      %add3A_143 = arith.addi %mul3A_141, %add3A_142 : i32
      %mul3A_144 = arith.constant 32 : i32
      %mul3A_145 = arith.muli %add3A_143, %mul3A_144 : i32
      %add3A_146 = arith.addi %mul3A_17, %mul3A_145 : i32
      %dma_wait3A_147 = arith.constant 0 : i32
      %dma_wait3A_148 = tpu.memref_slice %arg2[%add3A_146, %dma_wait3A_147] : memref<8192x512xf32, #tpu.memory_space<hbm>> -> memref<32x512xf32, #tpu.memory_space<hbm>>
      %dma_wait3A_149 = arith.constant 0 : i32
      %dma_wait3A_150 = tpu.memref_slice %arg2[%add3A_146, %dma_wait3A_149] : memref<8192x512xf32, #tpu.memory_space<hbm>> -> memref<32x512xf32, #tpu.memory_space<hbm>>
      tpu.wait_dma2 semaphore(%arg13 : memref<!tpu.dma_semaphore, #tpu.memory_space<semaphore_mem>>) src(%dma_wait3A_150 : memref<32x512xf32, #tpu.memory_space<hbm>>) dst(%arg7 : memref<32x512xf32, #tpu.memory_space<vmem>>)
      %gt3A_151 = arith.constant 0 : i32
      %gt3A_152 = arith.cmpi sgt, %scan3A_112, %gt3A_151 : i32
      %convert_element_type3A_153 = arith.extui %gt3A_152 : i1 to i32
      %cond3A_154 = arith.constant 0 : i32
      %cond3A_155 = arith.cmpi ne, %convert_element_type3A_153, %cond3A_154 : i32
      scf.if %cond3A_155 {
        %sub3A = arith.constant 2 : i32
        %sub3A_171 = arith.subi %add3A_143, %sub3A : i32
        %mul3A_172 = arith.constant 32 : i32
        %mul3A_173 = arith.muli %sub3A_171, %mul3A_172 : i32
        %add3A_174 = arith.addi %mul3A_17, %mul3A_173 : i32
        %dma_wait3A_175 = arith.constant 0 : i32
        %dma_wait3A_176 = tpu.memref_slice %arg3[%add3A_174, %dma_wait3A_175] : memref<8192x512xf32, #tpu.memory_space<hbm>> -> memref<32x512xf32, #tpu.memory_space<hbm>>
        %dma_wait3A_177 = arith.constant 0 : i32
        %dma_wait3A_178 = tpu.memref_slice %arg3[%add3A_174, %dma_wait3A_177] : memref<8192x512xf32, #tpu.memory_space<hbm>> -> memref<32x512xf32, #tpu.memory_space<hbm>>
        tpu.wait_dma2 semaphore(%arg15 : memref<!tpu.dma_semaphore, #tpu.memory_space<semaphore_mem>>) src(%arg9 : memref<32x512xf32, #tpu.memory_space<vmem>>) dst(%dma_wait3A_178 : memref<32x512xf32, #tpu.memory_space<hbm>>)
        %sub3A_179 = arith.constant 2 : i32
        %sub3A_180 = arith.subi %add3A_143, %sub3A_179 : i32
        %mul3A_181 = arith.constant 32 : i32
        %mul3A_182 = arith.muli %sub3A_180, %mul3A_181 : i32
        %add3A_183 = arith.constant 0 : i32
        %add3A_184 = arith.addi %mul3A_182, %add3A_183 : i32
        %get3A = arith.index_cast %add3A_184 : i32 to index
        %get3A_185 = tpu.vector_load %arg10[%get3A] {strides = array<i32>} : memref<256xi32, #tpu.memory_space<vmem>>, vector<16xi32>,
        %add3A_186 = arith.constant 0 : i32
        %add3A_187 = vector.broadcast %add3A_186 : i32 to vector<16xi32>
        %add3A_188 = arith.addi %iota3A, %add3A_187 : vector<16xi32>
        tpu.vector_store_idx %arg9[%add3A_188, %get3A_185], %broadcast_in_dim3A_10 : memref<32x512xf32, #tpu.memory_space<vmem>>[vector<16xi32>, vector<16xi32>], vector<16xf32>,
        %sub3A_189 = arith.constant 2 : i32
        %sub3A_190 = arith.subi %add3A_143, %sub3A_189 : i32
        %mul3A_191 = arith.constant 32 : i32
        %mul3A_192 = arith.muli %sub3A_190, %mul3A_191 : i32
        %add3A_193 = arith.constant 16 : i32
        %add3A_194 = arith.addi %mul3A_192, %add3A_193 : i32
        %get3A_195 = arith.index_cast %add3A_194 : i32 to index
        %get3A_196 = tpu.vector_load %arg10[%get3A_195] {strides = array<i32>} : memref<256xi32, #tpu.memory_space<vmem>>, vector<16xi32>,
        %add3A_197 = arith.constant 16 : i32
        %add3A_198 = vector.broadcast %add3A_197 : i32 to vector<16xi32>
        %add3A_199 = arith.addi %iota3A, %add3A_198 : vector<16xi32>
        tpu.vector_store_idx %arg9[%add3A_199, %get3A_196], %broadcast_in_dim3A_10 : memref<32x512xf32, #tpu.memory_space<vmem>>[vector<16xi32>, vector<16xi32>], vector<16xf32>,
      } else {
      }
      %scan3A_156 = arith.constant 0 : i32
      %scan3A_157 = arith.constant 0 : i32
      %scan3A_158 = arith.constant 32 : i32
      %scan3A_159 = arith.addi %scan3A_157, %scan3A_158 : i32
      %scan3A_160 = arith.constant 1 : i32
      scf.for %scan3A_171 = %scan3A_157 to %scan3A_159 step %scan3A_160  : i32 {
        %broadcast_in_dim3A_172 = arith.constant -3.000000e+38 : f32
        %broadcast_in_dim3A_173 = vector.broadcast %broadcast_in_dim3A_172 : f32 to vector<16xf32>
        %broadcast_in_dim3A_174 = arith.constant -3.000000e+38 : f32
        %broadcast_in_dim3A_175 = vector.broadcast %broadcast_in_dim3A_174 : f32 to vector<16xf32>
        %broadcast_in_dim3A_176 = arith.constant -3.000000e+38 : f32
        %broadcast_in_dim3A_177 = vector.broadcast %broadcast_in_dim3A_176 : f32 to vector<16xf32>
        %broadcast_in_dim3A_178 = arith.constant -3.000000e+38 : f32
        %broadcast_in_dim3A_179 = vector.broadcast %broadcast_in_dim3A_178 : f32 to vector<16xf32>
        %broadcast_in_dim3A_180 = arith.constant 0 : i32
        %broadcast_in_dim3A_181 = vector.broadcast %broadcast_in_dim3A_180 : i32 to vector<16xi32>
        %broadcast_in_dim3A_182 = arith.constant 0 : i32
        %broadcast_in_dim3A_183 = vector.broadcast %broadcast_in_dim3A_182 : i32 to vector<16xi32>
        %broadcast_in_dim3A_184 = arith.constant 0 : i32
        %broadcast_in_dim3A_185 = vector.broadcast %broadcast_in_dim3A_184 : i32 to vector<16xi32>
        %broadcast_in_dim3A_186 = arith.constant 0 : i32
        %broadcast_in_dim3A_187 = vector.broadcast %broadcast_in_dim3A_186 : i32 to vector<16xi32>
        %get3A = arith.index_cast %scan3A_171 : i32 to index
        %get3A_188 = arith.constant 0 : index
        %get3A_189 = tpu.vector_load %arg7[%get3A, %get3A_188] {strides = array<i32>} : memref<32x512xf32, #tpu.memory_space<vmem>>, vector<16xf32>,
        %jit3A = arith.constant -3.000000e+38 : f32
        %broadcast_in_dim3A_190 = vector.broadcast %jit3A : f32 to vector<16xf32>
        %select_n3A = arith.select %or3A_9, %broadcast_in_dim3A_190, %get3A_189 : vector<16xi1>, vector<16xf32>
        %gt3A_191 = arith.cmpf ogt, %select_n3A, %broadcast_in_dim3A_173 : vector<16xf32>
        %select_n3A_192 = arith.select %gt3A_191, %select_n3A, %broadcast_in_dim3A_173 : vector<16xi1>, vector<16xf32>
        %broadcast_in_dim3A_193 = arith.constant 0 : i32
        %broadcast_in_dim3A_194 = vector.broadcast %broadcast_in_dim3A_193 : i32 to vector<16xi32>
        %select_n3A_195 = arith.select %gt3A_191, %broadcast_in_dim3A_194, %broadcast_in_dim3A_181 : vector<16xi1>, vector<16xi32>
        %get3A_196 = arith.index_cast %scan3A_171 : i32 to index
        %get3A_197 = arith.constant 16 : index
        %get3A_198 = tpu.vector_load %arg7[%get3A_196, %get3A_197] {strides = array<i32>} : memref<32x512xf32, #tpu.memory_space<vmem>>, vector<16xf32>,
        %gt3A_199 = arith.cmpf ogt, %get3A_198, %select_n3A_192 : vector<16xf32>
        %select_n3A_200 = arith.select %gt3A_199, %get3A_198, %select_n3A_192 : vector<16xi1>, vector<16xf32>
        %broadcast_in_dim3A_201 = arith.constant 1 : i32
        %broadcast_in_dim3A_202 = vector.broadcast %broadcast_in_dim3A_201 : i32 to vector<16xi32>
        %select_n3A_203 = arith.select %gt3A_199, %broadcast_in_dim3A_202, %select_n3A_195 : vector<16xi1>, vector<16xi32>
        %get3A_204 = arith.index_cast %scan3A_171 : i32 to index
        %get3A_205 = arith.constant 32 : index
        %get3A_206 = tpu.vector_load %arg7[%get3A_204, %get3A_205] {strides = array<i32>} : memref<32x512xf32, #tpu.memory_space<vmem>>, vector<16xf32>,
        %gt3A_207 = arith.cmpf ogt, %get3A_206, %select_n3A_200 : vector<16xf32>
        %select_n3A_208 = arith.select %gt3A_207, %get3A_206, %select_n3A_200 : vector<16xi1>, vector<16xf32>
        %broadcast_in_dim3A_209 = arith.constant 2 : i32
        %broadcast_in_dim3A_210 = vector.broadcast %broadcast_in_dim3A_209 : i32 to vector<16xi32>
        %select_n3A_211 = arith.select %gt3A_207, %broadcast_in_dim3A_210, %select_n3A_203 : vector<16xi1>, vector<16xi32>
        %get3A_212 = arith.index_cast %scan3A_171 : i32 to index
        %get3A_213 = arith.constant 48 : index
        %get3A_214 = tpu.vector_load %arg7[%get3A_212, %get3A_213] {strides = array<i32>} : memref<32x512xf32, #tpu.memory_space<vmem>>, vector<16xf32>,
        %gt3A_215 = arith.cmpf ogt, %get3A_214, %select_n3A_208 : vector<16xf32>
        %select_n3A_216 = arith.select %gt3A_215, %get3A_214, %select_n3A_208 : vector<16xi1>, vector<16xf32>
        %broadcast_in_dim3A_217 = arith.constant 3 : i32
        %broadcast_in_dim3A_218 = vector.broadcast %broadcast_in_dim3A_217 : i32 to vector<16xi32>
        %select_n3A_219 = arith.select %gt3A_215, %broadcast_in_dim3A_218, %select_n3A_211 : vector<16xi1>, vector<16xi32>
        %get3A_220 = arith.index_cast %scan3A_171 : i32 to index
        %get3A_221 = arith.constant 64 : index
        %get3A_222 = tpu.vector_load %arg7[%get3A_220, %get3A_221] {strides = array<i32>} : memref<32x512xf32, #tpu.memory_space<vmem>>, vector<16xf32>,
        %gt3A_223 = arith.cmpf ogt, %get3A_222, %select_n3A_216 : vector<16xf32>
        %select_n3A_224 = arith.select %gt3A_223, %get3A_222, %select_n3A_216 : vector<16xi1>, vector<16xf32>
        %broadcast_in_dim3A_225 = arith.constant 4 : i32
        %broadcast_in_dim3A_226 = vector.broadcast %broadcast_in_dim3A_225 : i32 to vector<16xi32>
        %select_n3A_227 = arith.select %gt3A_223, %broadcast_in_dim3A_226, %select_n3A_219 : vector<16xi1>, vector<16xi32>
        %get3A_228 = arith.index_cast %scan3A_171 : i32 to index
        %get3A_229 = arith.constant 80 : index
        %get3A_230 = tpu.vector_load %arg7[%get3A_228, %get3A_229] {strides = array<i32>} : memref<32x512xf32, #tpu.memory_space<vmem>>, vector<16xf32>,
        %gt3A_231 = arith.cmpf ogt, %get3A_230, %select_n3A_224 : vector<16xf32>
        %select_n3A_232 = arith.select %gt3A_231, %get3A_230, %select_n3A_224 : vector<16xi1>, vector<16xf32>
        %broadcast_in_dim3A_233 = arith.constant 5 : i32
        %broadcast_in_dim3A_234 = vector.broadcast %broadcast_in_dim3A_233 : i32 to vector<16xi32>
        %select_n3A_235 = arith.select %gt3A_231, %broadcast_in_dim3A_234, %select_n3A_227 : vector<16xi1>, vector<16xi32>
        %get3A_236 = arith.index_cast %scan3A_171 : i32 to index
        %get3A_237 = arith.constant 96 : index
        %get3A_238 = tpu.vector_load %arg7[%get3A_236, %get3A_237] {strides = array<i32>} : memref<32x512xf32, #tpu.memory_space<vmem>>, vector<16xf32>,
        %gt3A_239 = arith.cmpf ogt, %get3A_238, %select_n3A_232 : vector<16xf32>
        %select_n3A_240 = arith.select %gt3A_239, %get3A_238, %select_n3A_232 : vector<16xi1>, vector<16xf32>
        %broadcast_in_dim3A_241 = arith.constant 6 : i32
        %broadcast_in_dim3A_242 = vector.broadcast %broadcast_in_dim3A_241 : i32 to vector<16xi32>
        %select_n3A_243 = arith.select %gt3A_239, %broadcast_in_dim3A_242, %select_n3A_235 : vector<16xi1>, vector<16xi32>
        %get3A_244 = arith.index_cast %scan3A_171 : i32 to index
        %get3A_245 = arith.constant 112 : index
        %get3A_246 = tpu.vector_load %arg7[%get3A_244, %get3A_245] {strides = array<i32>} : memref<32x512xf32, #tpu.memory_space<vmem>>, vector<16xf32>,
        %gt3A_247 = arith.cmpf ogt, %get3A_246, %select_n3A_240 : vector<16xf32>
        %select_n3A_248 = arith.select %gt3A_247, %get3A_246, %select_n3A_240 : vector<16xi1>, vector<16xf32>
        %broadcast_in_dim3A_249 = arith.constant 7 : i32
        %broadcast_in_dim3A_250 = vector.broadcast %broadcast_in_dim3A_249 : i32 to vector<16xi32>
        %select_n3A_251 = arith.select %gt3A_247, %broadcast_in_dim3A_250, %select_n3A_243 : vector<16xi1>, vector<16xi32>
        %get3A_252 = arith.index_cast %scan3A_171 : i32 to index
        %get3A_253 = arith.constant 128 : index
        %get3A_254 = tpu.vector_load %arg7[%get3A_252, %get3A_253] {strides = array<i32>} : memref<32x512xf32, #tpu.memory_space<vmem>>, vector<16xf32>,
        %gt3A_255 = arith.cmpf ogt, %get3A_254, %broadcast_in_dim3A_175 : vector<16xf32>
        %select_n3A_256 = arith.select %gt3A_255, %get3A_254, %broadcast_in_dim3A_175 : vector<16xi1>, vector<16xf32>
        %broadcast_in_dim3A_257 = arith.constant 8 : i32
        %broadcast_in_dim3A_258 = vector.broadcast %broadcast_in_dim3A_257 : i32 to vector<16xi32>
        %select_n3A_259 = arith.select %gt3A_255, %broadcast_in_dim3A_258, %broadcast_in_dim3A_183 : vector<16xi1>, vector<16xi32>
        %get3A_260 = arith.index_cast %scan3A_171 : i32 to index
        %get3A_261 = arith.constant 144 : index
        %get3A_262 = tpu.vector_load %arg7[%get3A_260, %get3A_261] {strides = array<i32>} : memref<32x512xf32, #tpu.memory_space<vmem>>, vector<16xf32>,
        %gt3A_263 = arith.cmpf ogt, %get3A_262, %select_n3A_256 : vector<16xf32>
        %select_n3A_264 = arith.select %gt3A_263, %get3A_262, %select_n3A_256 : vector<16xi1>, vector<16xf32>
        %broadcast_in_dim3A_265 = arith.constant 9 : i32
        %broadcast_in_dim3A_266 = vector.broadcast %broadcast_in_dim3A_265 : i32 to vector<16xi32>
        %select_n3A_267 = arith.select %gt3A_263, %broadcast_in_dim3A_266, %select_n3A_259 : vector<16xi1>, vector<16xi32>
        %get3A_268 = arith.index_cast %scan3A_171 : i32 to index
        %get3A_269 = arith.constant 160 : index
        %get3A_270 = tpu.vector_load %arg7[%get3A_268, %get3A_269] {strides = array<i32>} : memref<32x512xf32, #tpu.memory_space<vmem>>, vector<16xf32>,
        %gt3A_271 = arith.cmpf ogt, %get3A_270, %select_n3A_264 : vector<16xf32>
        %select_n3A_272 = arith.select %gt3A_271, %get3A_270, %select_n3A_264 : vector<16xi1>, vector<16xf32>
        %broadcast_in_dim3A_273 = arith.constant 10 : i32
        %broadcast_in_dim3A_274 = vector.broadcast %broadcast_in_dim3A_273 : i32 to vector<16xi32>
        %select_n3A_275 = arith.select %gt3A_271, %broadcast_in_dim3A_274, %select_n3A_267 : vector<16xi1>, vector<16xi32>
        %get3A_276 = arith.index_cast %scan3A_171 : i32 to index
        %get3A_277 = arith.constant 176 : index
        %get3A_278 = tpu.vector_load %arg7[%get3A_276, %get3A_277] {strides = array<i32>} : memref<32x512xf32, #tpu.memory_space<vmem>>, vector<16xf32>,
        %gt3A_279 = arith.cmpf ogt, %get3A_278, %select_n3A_272 : vector<16xf32>
        %select_n3A_280 = arith.select %gt3A_279, %get3A_278, %select_n3A_272 : vector<16xi1>, vector<16xf32>
        %broadcast_in_dim3A_281 = arith.constant 11 : i32
        %broadcast_in_dim3A_282 = vector.broadcast %broadcast_in_dim3A_281 : i32 to vector<16xi32>
        %select_n3A_283 = arith.select %gt3A_279, %broadcast_in_dim3A_282, %select_n3A_275 : vector<16xi1>, vector<16xi32>
        %get3A_284 = arith.index_cast %scan3A_171 : i32 to index
        %get3A_285 = arith.constant 192 : index
        %get3A_286 = tpu.vector_load %arg7[%get3A_284, %get3A_285] {strides = array<i32>} : memref<32x512xf32, #tpu.memory_space<vmem>>, vector<16xf32>,
        %gt3A_287 = arith.cmpf ogt, %get3A_286, %select_n3A_280 : vector<16xf32>
        %select_n3A_288 = arith.select %gt3A_287, %get3A_286, %select_n3A_280 : vector<16xi1>, vector<16xf32>
        %broadcast_in_dim3A_289 = arith.constant 12 : i32
        %broadcast_in_dim3A_290 = vector.broadcast %broadcast_in_dim3A_289 : i32 to vector<16xi32>
        %select_n3A_291 = arith.select %gt3A_287, %broadcast_in_dim3A_290, %select_n3A_283 : vector<16xi1>, vector<16xi32>
        %get3A_292 = arith.index_cast %scan3A_171 : i32 to index
        %get3A_293 = arith.constant 208 : index
        %get3A_294 = tpu.vector_load %arg7[%get3A_292, %get3A_293] {strides = array<i32>} : memref<32x512xf32, #tpu.memory_space<vmem>>, vector<16xf32>,
        %gt3A_295 = arith.cmpf ogt, %get3A_294, %select_n3A_288 : vector<16xf32>
        %select_n3A_296 = arith.select %gt3A_295, %get3A_294, %select_n3A_288 : vector<16xi1>, vector<16xf32>
        %broadcast_in_dim3A_297 = arith.constant 13 : i32
        %broadcast_in_dim3A_298 = vector.broadcast %broadcast_in_dim3A_297 : i32 to vector<16xi32>
        %select_n3A_299 = arith.select %gt3A_295, %broadcast_in_dim3A_298, %select_n3A_291 : vector<16xi1>, vector<16xi32>
        %get3A_300 = arith.index_cast %scan3A_171 : i32 to index
        %get3A_301 = arith.constant 224 : index
        %get3A_302 = tpu.vector_load %arg7[%get3A_300, %get3A_301] {strides = array<i32>} : memref<32x512xf32, #tpu.memory_space<vmem>>, vector<16xf32>,
        %gt3A_303 = arith.cmpf ogt, %get3A_302, %select_n3A_296 : vector<16xf32>
        %select_n3A_304 = arith.select %gt3A_303, %get3A_302, %select_n3A_296 : vector<16xi1>, vector<16xf32>
        %broadcast_in_dim3A_305 = arith.constant 14 : i32
        %broadcast_in_dim3A_306 = vector.broadcast %broadcast_in_dim3A_305 : i32 to vector<16xi32>
        %select_n3A_307 = arith.select %gt3A_303, %broadcast_in_dim3A_306, %select_n3A_299 : vector<16xi1>, vector<16xi32>
        %get3A_308 = arith.index_cast %scan3A_171 : i32 to index
        %get3A_309 = arith.constant 240 : index
        %get3A_310 = tpu.vector_load %arg7[%get3A_308, %get3A_309] {strides = array<i32>} : memref<32x512xf32, #tpu.memory_space<vmem>>, vector<16xf32>,
        %gt3A_311 = arith.cmpf ogt, %get3A_310, %select_n3A_304 : vector<16xf32>
        %select_n3A_312 = arith.select %gt3A_311, %get3A_310, %select_n3A_304 : vector<16xi1>, vector<16xf32>
        %broadcast_in_dim3A_313 = arith.constant 15 : i32
        %broadcast_in_dim3A_314 = vector.broadcast %broadcast_in_dim3A_313 : i32 to vector<16xi32>
        %select_n3A_315 = arith.select %gt3A_311, %broadcast_in_dim3A_314, %select_n3A_307 : vector<16xi1>, vector<16xi32>
        %get3A_316 = arith.index_cast %scan3A_171 : i32 to index
        %get3A_317 = arith.constant 256 : index
        %get3A_318 = tpu.vector_load %arg7[%get3A_316, %get3A_317] {strides = array<i32>} : memref<32x512xf32, #tpu.memory_space<vmem>>, vector<16xf32>,
        %gt3A_319 = arith.cmpf ogt, %get3A_318, %broadcast_in_dim3A_177 : vector<16xf32>
        %select_n3A_320 = arith.select %gt3A_319, %get3A_318, %broadcast_in_dim3A_177 : vector<16xi1>, vector<16xf32>
        %broadcast_in_dim3A_321 = arith.constant 16 : i32
        %broadcast_in_dim3A_322 = vector.broadcast %broadcast_in_dim3A_321 : i32 to vector<16xi32>
        %select_n3A_323 = arith.select %gt3A_319, %broadcast_in_dim3A_322, %broadcast_in_dim3A_185 : vector<16xi1>, vector<16xi32>
        %get3A_324 = arith.index_cast %scan3A_171 : i32 to index
        %get3A_325 = arith.constant 272 : index
        %get3A_326 = tpu.vector_load %arg7[%get3A_324, %get3A_325] {strides = array<i32>} : memref<32x512xf32, #tpu.memory_space<vmem>>, vector<16xf32>,
        %gt3A_327 = arith.cmpf ogt, %get3A_326, %select_n3A_320 : vector<16xf32>
        %select_n3A_328 = arith.select %gt3A_327, %get3A_326, %select_n3A_320 : vector<16xi1>, vector<16xf32>
        %broadcast_in_dim3A_329 = arith.constant 17 : i32
        %broadcast_in_dim3A_330 = vector.broadcast %broadcast_in_dim3A_329 : i32 to vector<16xi32>
        %select_n3A_331 = arith.select %gt3A_327, %broadcast_in_dim3A_330, %select_n3A_323 : vector<16xi1>, vector<16xi32>
        %get3A_332 = arith.index_cast %scan3A_171 : i32 to index
        %get3A_333 = arith.constant 288 : index
        %get3A_334 = tpu.vector_load %arg7[%get3A_332, %get3A_333] {strides = array<i32>} : memref<32x512xf32, #tpu.memory_space<vmem>>, vector<16xf32>,
        %gt3A_335 = arith.cmpf ogt, %get3A_334, %select_n3A_328 : vector<16xf32>
        %select_n3A_336 = arith.select %gt3A_335, %get3A_334, %select_n3A_328 : vector<16xi1>, vector<16xf32>
        %broadcast_in_dim3A_337 = arith.constant 18 : i32
        %broadcast_in_dim3A_338 = vector.broadcast %broadcast_in_dim3A_337 : i32 to vector<16xi32>
        %select_n3A_339 = arith.select %gt3A_335, %broadcast_in_dim3A_338, %select_n3A_331 : vector<16xi1>, vector<16xi32>
        %get3A_340 = arith.index_cast %scan3A_171 : i32 to index
        %get3A_341 = arith.constant 304 : index
        %get3A_342 = tpu.vector_load %arg7[%get3A_340, %get3A_341] {strides = array<i32>} : memref<32x512xf32, #tpu.memory_space<vmem>>, vector<16xf32>,
        %gt3A_343 = arith.cmpf ogt, %get3A_342, %select_n3A_336 : vector<16xf32>
        %select_n3A_344 = arith.select %gt3A_343, %get3A_342, %select_n3A_336 : vector<16xi1>, vector<16xf32>
        %broadcast_in_dim3A_345 = arith.constant 19 : i32
        %broadcast_in_dim3A_346 = vector.broadcast %broadcast_in_dim3A_345 : i32 to vector<16xi32>
        %select_n3A_347 = arith.select %gt3A_343, %broadcast_in_dim3A_346, %select_n3A_339 : vector<16xi1>, vector<16xi32>
        %get3A_348 = arith.index_cast %scan3A_171 : i32 to index
        %get3A_349 = arith.constant 320 : index
        %get3A_350 = tpu.vector_load %arg7[%get3A_348, %get3A_349] {strides = array<i32>} : memref<32x512xf32, #tpu.memory_space<vmem>>, vector<16xf32>,
        %gt3A_351 = arith.cmpf ogt, %get3A_350, %select_n3A_344 : vector<16xf32>
        %select_n3A_352 = arith.select %gt3A_351, %get3A_350, %select_n3A_344 : vector<16xi1>, vector<16xf32>
        %broadcast_in_dim3A_353 = arith.constant 20 : i32
        %broadcast_in_dim3A_354 = vector.broadcast %broadcast_in_dim3A_353 : i32 to vector<16xi32>
        %select_n3A_355 = arith.select %gt3A_351, %broadcast_in_dim3A_354, %select_n3A_347 : vector<16xi1>, vector<16xi32>
        %get3A_356 = arith.index_cast %scan3A_171 : i32 to index
        %get3A_357 = arith.constant 336 : index
        %get3A_358 = tpu.vector_load %arg7[%get3A_356, %get3A_357] {strides = array<i32>} : memref<32x512xf32, #tpu.memory_space<vmem>>, vector<16xf32>,
        %gt3A_359 = arith.cmpf ogt, %get3A_358, %select_n3A_352 : vector<16xf32>
        %select_n3A_360 = arith.select %gt3A_359, %get3A_358, %select_n3A_352 : vector<16xi1>, vector<16xf32>
        %broadcast_in_dim3A_361 = arith.constant 21 : i32
        %broadcast_in_dim3A_362 = vector.broadcast %broadcast_in_dim3A_361 : i32 to vector<16xi32>
        %select_n3A_363 = arith.select %gt3A_359, %broadcast_in_dim3A_362, %select_n3A_355 : vector<16xi1>, vector<16xi32>
        %get3A_364 = arith.index_cast %scan3A_171 : i32 to index
        %get3A_365 = arith.constant 352 : index
        %get3A_366 = tpu.vector_load %arg7[%get3A_364, %get3A_365] {strides = array<i32>} : memref<32x512xf32, #tpu.memory_space<vmem>>, vector<16xf32>,
        %gt3A_367 = arith.cmpf ogt, %get3A_366, %select_n3A_360 : vector<16xf32>
        %select_n3A_368 = arith.select %gt3A_367, %get3A_366, %select_n3A_360 : vector<16xi1>, vector<16xf32>
        %broadcast_in_dim3A_369 = arith.constant 22 : i32
        %broadcast_in_dim3A_370 = vector.broadcast %broadcast_in_dim3A_369 : i32 to vector<16xi32>
        %select_n3A_371 = arith.select %gt3A_367, %broadcast_in_dim3A_370, %select_n3A_363 : vector<16xi1>, vector<16xi32>
        %get3A_372 = arith.index_cast %scan3A_171 : i32 to index
        %get3A_373 = arith.constant 368 : index
        %get3A_374 = tpu.vector_load %arg7[%get3A_372, %get3A_373] {strides = array<i32>} : memref<32x512xf32, #tpu.memory_space<vmem>>, vector<16xf32>,
        %gt3A_375 = arith.cmpf ogt, %get3A_374, %select_n3A_368 : vector<16xf32>
        %select_n3A_376 = arith.select %gt3A_375, %get3A_374, %select_n3A_368 : vector<16xi1>, vector<16xf32>
        %broadcast_in_dim3A_377 = arith.constant 23 : i32
        %broadcast_in_dim3A_378 = vector.broadcast %broadcast_in_dim3A_377 : i32 to vector<16xi32>
        %select_n3A_379 = arith.select %gt3A_375, %broadcast_in_dim3A_378, %select_n3A_371 : vector<16xi1>, vector<16xi32>
        %get3A_380 = arith.index_cast %scan3A_171 : i32 to index
        %get3A_381 = arith.constant 384 : index
        %get3A_382 = tpu.vector_load %arg7[%get3A_380, %get3A_381] {strides = array<i32>} : memref<32x512xf32, #tpu.memory_space<vmem>>, vector<16xf32>,
        %gt3A_383 = arith.cmpf ogt, %get3A_382, %broadcast_in_dim3A_179 : vector<16xf32>
        %select_n3A_384 = arith.select %gt3A_383, %get3A_382, %broadcast_in_dim3A_179 : vector<16xi1>, vector<16xf32>
        %broadcast_in_dim3A_385 = arith.constant 24 : i32
        %broadcast_in_dim3A_386 = vector.broadcast %broadcast_in_dim3A_385 : i32 to vector<16xi32>
        %select_n3A_387 = arith.select %gt3A_383, %broadcast_in_dim3A_386, %broadcast_in_dim3A_187 : vector<16xi1>, vector<16xi32>
        %get3A_388 = arith.index_cast %scan3A_171 : i32 to index
        %get3A_389 = arith.constant 400 : index
        %get3A_390 = tpu.vector_load %arg7[%get3A_388, %get3A_389] {strides = array<i32>} : memref<32x512xf32, #tpu.memory_space<vmem>>, vector<16xf32>,
        %gt3A_391 = arith.cmpf ogt, %get3A_390, %select_n3A_384 : vector<16xf32>
        %select_n3A_392 = arith.select %gt3A_391, %get3A_390, %select_n3A_384 : vector<16xi1>, vector<16xf32>
        %broadcast_in_dim3A_393 = arith.constant 25 : i32
        %broadcast_in_dim3A_394 = vector.broadcast %broadcast_in_dim3A_393 : i32 to vector<16xi32>
        %select_n3A_395 = arith.select %gt3A_391, %broadcast_in_dim3A_394, %select_n3A_387 : vector<16xi1>, vector<16xi32>
        %get3A_396 = arith.index_cast %scan3A_171 : i32 to index
        %get3A_397 = arith.constant 416 : index
        %get3A_398 = tpu.vector_load %arg7[%get3A_396, %get3A_397] {strides = array<i32>} : memref<32x512xf32, #tpu.memory_space<vmem>>, vector<16xf32>,
        %gt3A_399 = arith.cmpf ogt, %get3A_398, %select_n3A_392 : vector<16xf32>
        %select_n3A_400 = arith.select %gt3A_399, %get3A_398, %select_n3A_392 : vector<16xi1>, vector<16xf32>
        %broadcast_in_dim3A_401 = arith.constant 26 : i32
        %broadcast_in_dim3A_402 = vector.broadcast %broadcast_in_dim3A_401 : i32 to vector<16xi32>
        %select_n3A_403 = arith.select %gt3A_399, %broadcast_in_dim3A_402, %select_n3A_395 : vector<16xi1>, vector<16xi32>
        %get3A_404 = arith.index_cast %scan3A_171 : i32 to index
        %get3A_405 = arith.constant 432 : index
        %get3A_406 = tpu.vector_load %arg7[%get3A_404, %get3A_405] {strides = array<i32>} : memref<32x512xf32, #tpu.memory_space<vmem>>, vector<16xf32>,
        %gt3A_407 = arith.cmpf ogt, %get3A_406, %select_n3A_400 : vector<16xf32>
        %select_n3A_408 = arith.select %gt3A_407, %get3A_406, %select_n3A_400 : vector<16xi1>, vector<16xf32>
        %broadcast_in_dim3A_409 = arith.constant 27 : i32
        %broadcast_in_dim3A_410 = vector.broadcast %broadcast_in_dim3A_409 : i32 to vector<16xi32>
        %select_n3A_411 = arith.select %gt3A_407, %broadcast_in_dim3A_410, %select_n3A_403 : vector<16xi1>, vector<16xi32>
        %get3A_412 = arith.index_cast %scan3A_171 : i32 to index
        %get3A_413 = arith.constant 448 : index
        %get3A_414 = tpu.vector_load %arg7[%get3A_412, %get3A_413] {strides = array<i32>} : memref<32x512xf32, #tpu.memory_space<vmem>>, vector<16xf32>,
        %gt3A_415 = arith.cmpf ogt, %get3A_414, %select_n3A_408 : vector<16xf32>
        %select_n3A_416 = arith.select %gt3A_415, %get3A_414, %select_n3A_408 : vector<16xi1>, vector<16xf32>
        %broadcast_in_dim3A_417 = arith.constant 28 : i32
        %broadcast_in_dim3A_418 = vector.broadcast %broadcast_in_dim3A_417 : i32 to vector<16xi32>
        %select_n3A_419 = arith.select %gt3A_415, %broadcast_in_dim3A_418, %select_n3A_411 : vector<16xi1>, vector<16xi32>
        %get3A_420 = arith.index_cast %scan3A_171 : i32 to index
        %get3A_421 = arith.constant 464 : index
        %get3A_422 = tpu.vector_load %arg7[%get3A_420, %get3A_421] {strides = array<i32>} : memref<32x512xf32, #tpu.memory_space<vmem>>, vector<16xf32>,
        %gt3A_423 = arith.cmpf ogt, %get3A_422, %select_n3A_416 : vector<16xf32>
        %select_n3A_424 = arith.select %gt3A_423, %get3A_422, %select_n3A_416 : vector<16xi1>, vector<16xf32>
        %broadcast_in_dim3A_425 = arith.constant 29 : i32
        %broadcast_in_dim3A_426 = vector.broadcast %broadcast_in_dim3A_425 : i32 to vector<16xi32>
        %select_n3A_427 = arith.select %gt3A_423, %broadcast_in_dim3A_426, %select_n3A_419 : vector<16xi1>, vector<16xi32>
        %get3A_428 = arith.index_cast %scan3A_171 : i32 to index
        %get3A_429 = arith.constant 480 : index
        %get3A_430 = tpu.vector_load %arg7[%get3A_428, %get3A_429] {strides = array<i32>} : memref<32x512xf32, #tpu.memory_space<vmem>>, vector<16xf32>,
        %gt3A_431 = arith.cmpf ogt, %get3A_430, %select_n3A_424 : vector<16xf32>
        %select_n3A_432 = arith.select %gt3A_431, %get3A_430, %select_n3A_424 : vector<16xi1>, vector<16xf32>
        %broadcast_in_dim3A_433 = arith.constant 30 : i32
        %broadcast_in_dim3A_434 = vector.broadcast %broadcast_in_dim3A_433 : i32 to vector<16xi32>
        %select_n3A_435 = arith.select %gt3A_431, %broadcast_in_dim3A_434, %select_n3A_427 : vector<16xi1>, vector<16xi32>
        %get3A_436 = arith.index_cast %scan3A_171 : i32 to index
        %get3A_437 = arith.constant 496 : index
        %get3A_438 = tpu.vector_load %arg7[%get3A_436, %get3A_437] {strides = array<i32>} : memref<32x512xf32, #tpu.memory_space<vmem>>, vector<16xf32>,
        %gt3A_439 = arith.cmpf ogt, %get3A_438, %select_n3A_432 : vector<16xf32>
        %select_n3A_440 = arith.select %gt3A_439, %get3A_438, %select_n3A_432 : vector<16xi1>, vector<16xf32>
        %broadcast_in_dim3A_441 = arith.constant 31 : i32
        %broadcast_in_dim3A_442 = vector.broadcast %broadcast_in_dim3A_441 : i32 to vector<16xi32>
        %select_n3A_443 = arith.select %gt3A_439, %broadcast_in_dim3A_442, %select_n3A_435 : vector<16xi1>, vector<16xi32>
        %gt3A_444 = arith.cmpf ogt, %select_n3A_312, %select_n3A_248 : vector<16xf32>
        %select_n3A_445 = arith.select %gt3A_444, %select_n3A_312, %select_n3A_248 : vector<16xi1>, vector<16xf32>
        %select_n3A_446 = arith.select %gt3A_444, %select_n3A_315, %select_n3A_251 : vector<16xi1>, vector<16xi32>
        %gt3A_447 = arith.cmpf ogt, %select_n3A_440, %select_n3A_376 : vector<16xf32>
        %select_n3A_448 = arith.select %gt3A_447, %select_n3A_440, %select_n3A_376 : vector<16xi1>, vector<16xf32>
        %select_n3A_449 = arith.select %gt3A_447, %select_n3A_443, %select_n3A_379 : vector<16xi1>, vector<16xi32>
        %gt3A_450 = arith.cmpf ogt, %select_n3A_448, %select_n3A_445 : vector<16xf32>
        %select_n3A_451 = arith.select %gt3A_450, %select_n3A_448, %select_n3A_445 : vector<16xi1>, vector<16xf32>
        %select_n3A_452 = arith.select %gt3A_450, %select_n3A_449, %select_n3A_446 : vector<16xi1>, vector<16xi32>
        %add3A_453 = arith.constant 1 : i32
        %add3A_454 = vector.broadcast %add3A_453 : i32 to vector<16xi32>
        %add3A_455 = arith.addi %iota3A, %add3A_454 : vector<16xi32>
        %and3A = arith.constant 15 : i32
        %and3A_456 = vector.broadcast %and3A : i32 to vector<16xi32>
        %and3A_457 = arith.andi %add3A_455, %and3A_456 : vector<16xi32>
        %lt3A_458 = arith.constant 0 : i32
        %lt3A_459 = vector.broadcast %lt3A_458 : i32 to vector<16xi32>
        %lt3A_460 = arith.cmpi slt, %and3A_457, %lt3A_459 : vector<16xi32>
        %add3A_461 = arith.constant 16 : i32
        %add3A_462 = vector.broadcast %add3A_461 : i32 to vector<16xi32>
        %add3A_463 = arith.addi %and3A_457, %add3A_462 : vector<16xi32>
        %select_n3A_464 = arith.select %lt3A_460, %add3A_463, %and3A_457 : vector<16xi1>, vector<16xi32>
        %broadcast_in_dim3A_465 = vector.shape_cast %select_n3A_464 : vector<16xi32> to vector<16x1xi32>
        %gather3A = vector.shape_cast %broadcast_in_dim3A_465 : vector<16x1xi32> to vector<16xi32>
        %gather3A_466 = tpu.dynamic_gather %select_n3A_451[%gather3A] in [0] : vector<16xf32>, vector<16xi32> -> vector<16xf32>
        %max3A = arith.maximumf %select_n3A_451, %gather3A_466 : vector<16xf32>
        %add3A_467 = arith.constant 2 : i32
        %add3A_468 = vector.broadcast %add3A_467 : i32 to vector<16xi32>
        %add3A_469 = arith.addi %iota3A, %add3A_468 : vector<16xi32>
        %and3A_470 = arith.constant 15 : i32
        %and3A_471 = vector.broadcast %and3A_470 : i32 to vector<16xi32>
        %and3A_472 = arith.andi %add3A_469, %and3A_471 : vector<16xi32>
        %lt3A_473 = arith.constant 0 : i32
        %lt3A_474 = vector.broadcast %lt3A_473 : i32 to vector<16xi32>
        %lt3A_475 = arith.cmpi slt, %and3A_472, %lt3A_474 : vector<16xi32>
        %add3A_476 = arith.constant 16 : i32
        %add3A_477 = vector.broadcast %add3A_476 : i32 to vector<16xi32>
        %add3A_478 = arith.addi %and3A_472, %add3A_477 : vector<16xi32>
        %select_n3A_479 = arith.select %lt3A_475, %add3A_478, %and3A_472 : vector<16xi1>, vector<16xi32>
        %broadcast_in_dim3A_480 = vector.shape_cast %select_n3A_479 : vector<16xi32> to vector<16x1xi32>
        %gather3A_481 = vector.shape_cast %broadcast_in_dim3A_480 : vector<16x1xi32> to vector<16xi32>
        %gather3A_482 = tpu.dynamic_gather %max3A[%gather3A_481] in [0] : vector<16xf32>, vector<16xi32> -> vector<16xf32>
        %max3A_483 = arith.maximumf %max3A, %gather3A_482 : vector<16xf32>
        %add3A_484 = arith.constant 4 : i32
        %add3A_485 = vector.broadcast %add3A_484 : i32 to vector<16xi32>
        %add3A_486 = arith.addi %iota3A, %add3A_485 : vector<16xi32>
        %and3A_487 = arith.constant 15 : i32
        %and3A_488 = vector.broadcast %and3A_487 : i32 to vector<16xi32>
        %and3A_489 = arith.andi %add3A_486, %and3A_488 : vector<16xi32>
        %lt3A_490 = arith.constant 0 : i32
        %lt3A_491 = vector.broadcast %lt3A_490 : i32 to vector<16xi32>
        %lt3A_492 = arith.cmpi slt, %and3A_489, %lt3A_491 : vector<16xi32>
        %add3A_493 = arith.constant 16 : i32
        %add3A_494 = vector.broadcast %add3A_493 : i32 to vector<16xi32>
        %add3A_495 = arith.addi %and3A_489, %add3A_494 : vector<16xi32>
        %select_n3A_496 = arith.select %lt3A_492, %add3A_495, %and3A_489 : vector<16xi1>, vector<16xi32>
        %broadcast_in_dim3A_497 = vector.shape_cast %select_n3A_496 : vector<16xi32> to vector<16x1xi32>
        %gather3A_498 = vector.shape_cast %broadcast_in_dim3A_497 : vector<16x1xi32> to vector<16xi32>
        %gather3A_499 = tpu.dynamic_gather %max3A_483[%gather3A_498] in [0] : vector<16xf32>, vector<16xi32> -> vector<16xf32>
        %max3A_500 = arith.maximumf %max3A_483, %gather3A_499 : vector<16xf32>
        %add3A_501 = arith.constant 8 : i32
        %add3A_502 = vector.broadcast %add3A_501 : i32 to vector<16xi32>
        %add3A_503 = arith.addi %iota3A, %add3A_502 : vector<16xi32>
        %and3A_504 = arith.constant 15 : i32
        %and3A_505 = vector.broadcast %and3A_504 : i32 to vector<16xi32>
        %and3A_506 = arith.andi %add3A_503, %and3A_505 : vector<16xi32>
        %lt3A_507 = arith.constant 0 : i32
        %lt3A_508 = vector.broadcast %lt3A_507 : i32 to vector<16xi32>
        %lt3A_509 = arith.cmpi slt, %and3A_506, %lt3A_508 : vector<16xi32>
        %add3A_510 = arith.constant 16 : i32
        %add3A_511 = vector.broadcast %add3A_510 : i32 to vector<16xi32>
        %add3A_512 = arith.addi %and3A_506, %add3A_511 : vector<16xi32>
        %select_n3A_513 = arith.select %lt3A_509, %add3A_512, %and3A_506 : vector<16xi1>, vector<16xi32>
        %broadcast_in_dim3A_514 = vector.shape_cast %select_n3A_513 : vector<16xi32> to vector<16x1xi32>
        %gather3A_515 = vector.shape_cast %broadcast_in_dim3A_514 : vector<16x1xi32> to vector<16xi32>
        %gather3A_516 = tpu.dynamic_gather %max3A_500[%gather3A_515] in [0] : vector<16xf32>, vector<16xi32> -> vector<16xf32>
        %max3A_517 = arith.maximumf %max3A_500, %gather3A_516 : vector<16xf32>
        %eq3A_518 = arith.cmpf oeq, %select_n3A_451, %max3A_517 : vector<16xf32>
        %mul3A_519 = arith.constant 16 : i32
        %mul3A_520 = vector.broadcast %mul3A_519 : i32 to vector<16xi32>
        %mul3A_521 = arith.muli %select_n3A_452, %mul3A_520 : vector<16xi32>
        %add3A_522 = arith.addi %mul3A_521, %iota3A : vector<16xi32>
        %jit3A_523 = arith.constant 1048576 : i32
        %broadcast_in_dim3A_524 = vector.broadcast %jit3A_523 : i32 to vector<16xi32>
        %select_n3A_525 = arith.select %eq3A_518, %add3A_522, %broadcast_in_dim3A_524 : vector<16xi1>, vector<16xi32>
        %add3A_526 = arith.constant 1 : i32
        %add3A_527 = vector.broadcast %add3A_526 : i32 to vector<16xi32>
        %add3A_528 = arith.addi %iota3A, %add3A_527 : vector<16xi32>
        %and3A_529 = arith.constant 15 : i32
        %and3A_530 = vector.broadcast %and3A_529 : i32 to vector<16xi32>
        %and3A_531 = arith.andi %add3A_528, %and3A_530 : vector<16xi32>
        %lt3A_532 = arith.constant 0 : i32
        %lt3A_533 = vector.broadcast %lt3A_532 : i32 to vector<16xi32>
        %lt3A_534 = arith.cmpi slt, %and3A_531, %lt3A_533 : vector<16xi32>
        %add3A_535 = arith.constant 16 : i32
        %add3A_536 = vector.broadcast %add3A_535 : i32 to vector<16xi32>
        %add3A_537 = arith.addi %and3A_531, %add3A_536 : vector<16xi32>
        %select_n3A_538 = arith.select %lt3A_534, %add3A_537, %and3A_531 : vector<16xi1>, vector<16xi32>
        %broadcast_in_dim3A_539 = vector.shape_cast %select_n3A_538 : vector<16xi32> to vector<16x1xi32>
        %gather3A_540 = vector.shape_cast %broadcast_in_dim3A_539 : vector<16x1xi32> to vector<16xi32>
        %gather3A_541 = tpu.dynamic_gather %select_n3A_525[%gather3A_540] in [0] : vector<16xi32>, vector<16xi32> -> vector<16xi32>
        %min3A = arith.minsi %select_n3A_525, %gather3A_541 : vector<16xi32>
        %add3A_542 = arith.constant 2 : i32
        %add3A_543 = vector.broadcast %add3A_542 : i32 to vector<16xi32>
        %add3A_544 = arith.addi %iota3A, %add3A_543 : vector<16xi32>
        %and3A_545 = arith.constant 15 : i32
        %and3A_546 = vector.broadcast %and3A_545 : i32 to vector<16xi32>
        %and3A_547 = arith.andi %add3A_544, %and3A_546 : vector<16xi32>
        %lt3A_548 = arith.constant 0 : i32
        %lt3A_549 = vector.broadcast %lt3A_548 : i32 to vector<16xi32>
        %lt3A_550 = arith.cmpi slt, %and3A_547, %lt3A_549 : vector<16xi32>
        %add3A_551 = arith.constant 16 : i32
        %add3A_552 = vector.broadcast %add3A_551 : i32 to vector<16xi32>
        %add3A_553 = arith.addi %and3A_547, %add3A_552 : vector<16xi32>
        %select_n3A_554 = arith.select %lt3A_550, %add3A_553, %and3A_547 : vector<16xi1>, vector<16xi32>
        %broadcast_in_dim3A_555 = vector.shape_cast %select_n3A_554 : vector<16xi32> to vector<16x1xi32>
        %gather3A_556 = vector.shape_cast %broadcast_in_dim3A_555 : vector<16x1xi32> to vector<16xi32>
        %gather3A_557 = tpu.dynamic_gather %min3A[%gather3A_556] in [0] : vector<16xi32>, vector<16xi32> -> vector<16xi32>
        %min3A_558 = arith.minsi %min3A, %gather3A_557 : vector<16xi32>
        %add3A_559 = arith.constant 4 : i32
        %add3A_560 = vector.broadcast %add3A_559 : i32 to vector<16xi32>
        %add3A_561 = arith.addi %iota3A, %add3A_560 : vector<16xi32>
        %and3A_562 = arith.constant 15 : i32
        %and3A_563 = vector.broadcast %and3A_562 : i32 to vector<16xi32>
        %and3A_564 = arith.andi %add3A_561, %and3A_563 : vector<16xi32>
        %lt3A_565 = arith.constant 0 : i32
        %lt3A_566 = vector.broadcast %lt3A_565 : i32 to vector<16xi32>
        %lt3A_567 = arith.cmpi slt, %and3A_564, %lt3A_566 : vector<16xi32>
        %add3A_568 = arith.constant 16 : i32
        %add3A_569 = vector.broadcast %add3A_568 : i32 to vector<16xi32>
        %add3A_570 = arith.addi %and3A_564, %add3A_569 : vector<16xi32>
        %select_n3A_571 = arith.select %lt3A_567, %add3A_570, %and3A_564 : vector<16xi1>, vector<16xi32>
        %broadcast_in_dim3A_572 = vector.shape_cast %select_n3A_571 : vector<16xi32> to vector<16x1xi32>
        %gather3A_573 = vector.shape_cast %broadcast_in_dim3A_572 : vector<16x1xi32> to vector<16xi32>
        %gather3A_574 = tpu.dynamic_gather %min3A_558[%gather3A_573] in [0] : vector<16xi32>, vector<16xi32> -> vector<16xi32>
        %min3A_575 = arith.minsi %min3A_558, %gather3A_574 : vector<16xi32>
        %add3A_576 = arith.constant 8 : i32
        %add3A_577 = vector.broadcast %add3A_576 : i32 to vector<16xi32>
        %add3A_578 = arith.addi %iota3A, %add3A_577 : vector<16xi32>
        %and3A_579 = arith.constant 15 : i32
        %and3A_580 = vector.broadcast %and3A_579 : i32 to vector<16xi32>
        %and3A_581 = arith.andi %add3A_578, %and3A_580 : vector<16xi32>
        %lt3A_582 = arith.constant 0 : i32
        %lt3A_583 = vector.broadcast %lt3A_582 : i32 to vector<16xi32>
        %lt3A_584 = arith.cmpi slt, %and3A_581, %lt3A_583 : vector<16xi32>
        %add3A_585 = arith.constant 16 : i32
        %add3A_586 = vector.broadcast %add3A_585 : i32 to vector<16xi32>
        %add3A_587 = arith.addi %and3A_581, %add3A_586 : vector<16xi32>
        %select_n3A_588 = arith.select %lt3A_584, %add3A_587, %and3A_581 : vector<16xi1>, vector<16xi32>
        %broadcast_in_dim3A_589 = vector.shape_cast %select_n3A_588 : vector<16xi32> to vector<16x1xi32>
        %gather3A_590 = vector.shape_cast %broadcast_in_dim3A_589 : vector<16x1xi32> to vector<16xi32>
        %gather3A_591 = tpu.dynamic_gather %min3A_575[%gather3A_590] in [0] : vector<16xi32>, vector<16xi32> -> vector<16xi32>
        %min3A_592 = arith.minsi %min3A_575, %gather3A_591 : vector<16xi32>
        %gather3A_593 = tpu.vector_load_idx %arg11[%min3A_592] : memref<512xf32, #tpu.memory_space<vmem>>[vector<16xi32>], vector<16xf32>,
        %add3A_594 = arith.constant 1.000000e+00 : f32
        %add3A_595 = vector.broadcast %add3A_594 : f32 to vector<16xf32>
        %add3A_596 = arith.addf %gather3A_593, %add3A_595 : vector<16xf32>
        tpu.vector_store_idx %arg11[%min3A_592], %add3A_596 masked %eq3A_15 : memref<512xf32, #tpu.memory_space<vmem>>[vector<16xi32>], vector<16xf32>, vector<16xi1>
        %mul3A_597 = arith.constant 32 : i32
        %mul3A_598 = arith.muli %add3A_143, %mul3A_597 : i32
        %add3A_599 = arith.addi %mul3A_598, %scan3A_171 : i32
        %broadcast_in_dim3A_600 = vector.broadcast %add3A_599 : i32 to vector<16xi32>
        tpu.vector_store_idx %arg10[%broadcast_in_dim3A_600], %min3A_592 masked %eq3A_15 : memref<256xi32, #tpu.memory_space<vmem>>[vector<16xi32>], vector<16xi32>, vector<16xi1>
        %broadcast_in_dim3A_601 = vector.broadcast %scan3A_171 : i32 to vector<16xi32>
        tpu.vector_store_idx %arg9[%broadcast_in_dim3A_601, %min3A_592], %broadcast_in_dim3A_12 masked %eq3A_15 : memref<32x512xf32, #tpu.memory_space<vmem>>[vector<16xi32>, vector<16xi32>], vector<16xf32>, vector<16xi1>
      }
      %scan3A_161 = arith.constant 32 : i32
      %dma_start3A_162 = arith.constant 0 : i32
      %dma_start3A_163 = tpu.memref_slice %arg3[%add3A_146, %dma_start3A_162] : memref<8192x512xf32, #tpu.memory_space<hbm>> -> memref<32x512xf32, #tpu.memory_space<hbm>>
      %dma_start3A_164 = arith.constant 0 : i32
      %dma_start3A_165 = tpu.memref_slice %arg3[%add3A_146, %dma_start3A_164] : memref<8192x512xf32, #tpu.memory_space<hbm>> -> memref<32x512xf32, #tpu.memory_space<hbm>>
      tpu.enqueue_dma source(%arg9 : memref<32x512xf32, #tpu.memory_space<vmem>>) target(%dma_start3A_165 : memref<32x512xf32, #tpu.memory_space<hbm>>) target_semaphore(%arg15 : memref<!tpu.dma_semaphore, #tpu.memory_space<semaphore_mem>>)
      %lt3A_166 = arith.constant 3 : i32
      %lt3A_167 = arith.cmpi slt, %scan3A_112, %lt3A_166 : i32
      %convert_element_type3A_168 = arith.extui %lt3A_167 : i1 to i32
      %cond3A_169 = arith.constant 0 : i32
      %cond3A_170 = arith.cmpi ne, %convert_element_type3A_168, %cond3A_169 : i32
      scf.if %cond3A_170 {
        %add3A_171 = arith.constant 2 : i32
        %add3A_172 = arith.addi %add3A_143, %add3A_171 : i32
        %mul3A_173 = arith.constant 32 : i32
        %mul3A_174 = arith.muli %add3A_172, %mul3A_173 : i32
        %add3A_175 = arith.addi %mul3A_17, %mul3A_174 : i32
        %dma_start3A_176 = arith.constant 0 : i32
        %dma_start3A_177 = tpu.memref_slice %arg2[%add3A_175, %dma_start3A_176] : memref<8192x512xf32, #tpu.memory_space<hbm>> -> memref<32x512xf32, #tpu.memory_space<hbm>>
        %dma_start3A_178 = arith.constant 0 : i32
        %dma_start3A_179 = tpu.memref_slice %arg2[%add3A_175, %dma_start3A_178] : memref<8192x512xf32, #tpu.memory_space<hbm>> -> memref<32x512xf32, #tpu.memory_space<hbm>>
        tpu.enqueue_dma source(%dma_start3A_179 : memref<32x512xf32, #tpu.memory_space<hbm>>) target(%arg7 : memref<32x512xf32, #tpu.memory_space<vmem>>) target_semaphore(%arg13 : memref<!tpu.dma_semaphore, #tpu.memory_space<semaphore_mem>>)
      } else {
      }
    }
    %scan3A_100 = arith.constant 4 : i32
    %add3A_101 = arith.constant 192 : i32
    %add3A_102 = arith.addi %mul3A_17, %add3A_101 : i32
    %dma_wait3A = arith.constant 0 : i32
    %dma_wait3A_103 = tpu.memref_slice %arg3[%add3A_102, %dma_wait3A] : memref<8192x512xf32, #tpu.memory_space<hbm>> -> memref<32x512xf32, #tpu.memory_space<hbm>>
    %dma_wait3A_104 = arith.constant 0 : i32
    %dma_wait3A_105 = tpu.memref_slice %arg3[%add3A_102, %dma_wait3A_104] : memref<8192x512xf32, #tpu.memory_space<hbm>> -> memref<32x512xf32, #tpu.memory_space<hbm>>
    tpu.wait_dma2 semaphore(%arg14 : memref<!tpu.dma_semaphore, #tpu.memory_space<semaphore_mem>>) src(%arg8 : memref<32x512xf32, #tpu.memory_space<vmem>>) dst(%dma_wait3A_105 : memref<32x512xf32, #tpu.memory_space<hbm>>)
    %add3A_106 = arith.constant 224 : i32
    %add3A_107 = arith.addi %mul3A_17, %add3A_106 : i32
    %dma_wait3A_108 = arith.constant 0 : i32
    %dma_wait3A_109 = tpu.memref_slice %arg3[%add3A_107, %dma_wait3A_108] : memref<8192x512xf32, #tpu.memory_space<hbm>> -> memref<32x512xf32, #tpu.memory_space<hbm>>
    %dma_wait3A_110 = arith.constant 0 : i32
    %dma_wait3A_111 = tpu.memref_slice %arg3[%add3A_107, %dma_wait3A_110] : memref<8192x512xf32, #tpu.memory_space<hbm>> -> memref<32x512xf32, #tpu.memory_space<hbm>>
    tpu.wait_dma2 semaphore(%arg15 : memref<!tpu.dma_semaphore, #tpu.memory_space<semaphore_mem>>) src(%arg9 : memref<32x512xf32, #tpu.memory_space<vmem>>) dst(%dma_wait3A_111 : memref<32x512xf32, #tpu.memory_space<hbm>>)
    "tpu.region"() ({
      %run_scoped3A = tpu.sem_alloc : memref<!tpu.dma_semaphore, #tpu.memory_space<semaphore_mem>>
      %dma_start3A_112 = tpu.memref_slice %arg4[%mul3A_17] : memref<8192xi32, #tpu.memory_space<hbm>> -> memref<256xi32, #tpu.memory_space<hbm>>
      %dma_start3A_113 = tpu.memref_slice %arg4[%mul3A_17] : memref<8192xi32, #tpu.memory_space<hbm>> -> memref<256xi32, #tpu.memory_space<hbm>>
      tpu.enqueue_dma source(%arg10 : memref<256xi32, #tpu.memory_space<vmem>>) target(%dma_start3A_113 : memref<256xi32, #tpu.memory_space<hbm>>) target_semaphore(%run_scoped3A : memref<!tpu.dma_semaphore, #tpu.memory_space<semaphore_mem>>)
      %dma_wait3A_114 = tpu.memref_slice %arg4[%mul3A_17] : memref<8192xi32, #tpu.memory_space<hbm>> -> memref<256xi32, #tpu.memory_space<hbm>>
      %dma_wait3A_115 = tpu.memref_slice %arg4[%mul3A_17] : memref<8192xi32, #tpu.memory_space<hbm>> -> memref<256xi32, #tpu.memory_space<hbm>>
      tpu.wait_dma2 semaphore(%run_scoped3A : memref<!tpu.dma_semaphore, #tpu.memory_space<semaphore_mem>>) src(%arg10 : memref<256xi32, #tpu.memory_space<vmem>>) dst(%dma_wait3A_115 : memref<256xi32, #tpu.memory_space<hbm>>)
      tpu.yield
    }) : () -> ()
    "tpu.region"() ({
      %run_scoped3A = tpu.sem_alloc : memref<!tpu.dma_semaphore, #tpu.memory_space<semaphore_mem>>
      %dma_start3A_112 = arith.constant 0 : i32
      %dma_start3A_113 = tpu.memref_slice %arg5[%add3A, %dma_start3A_112] : memref<32x512xf32, #tpu.memory_space<hbm>> -> memref<1x512xf32, #tpu.memory_space<hbm>>
      %dma_start3A_114 = tpu.memref_squeeze %dma_start3A_113 : memref<1x512xf32, #tpu.memory_space<hbm>> -> memref<512xf32, #tpu.memory_space<hbm>>
      %dma_start3A_115 = arith.constant 0 : i32
      %dma_start3A_116 = tpu.memref_slice %arg5[%add3A, %dma_start3A_115] : memref<32x512xf32, #tpu.memory_space<hbm>> -> memref<1x512xf32, #tpu.memory_space<hbm>>
      %dma_start3A_117 = tpu.memref_squeeze %dma_start3A_116 : memref<1x512xf32, #tpu.memory_space<hbm>> -> memref<512xf32, #tpu.memory_space<hbm>>
      tpu.enqueue_dma source(%arg11 : memref<512xf32, #tpu.memory_space<vmem>>) target(%dma_start3A_117 : memref<512xf32, #tpu.memory_space<hbm>>) target_semaphore(%run_scoped3A : memref<!tpu.dma_semaphore, #tpu.memory_space<semaphore_mem>>)
      %dma_wait3A_118 = arith.constant 0 : i32
      %dma_wait3A_119 = tpu.memref_slice %arg5[%add3A, %dma_wait3A_118] : memref<32x512xf32, #tpu.memory_space<hbm>> -> memref<1x512xf32, #tpu.memory_space<hbm>>
      %dma_wait3A_120 = tpu.memref_squeeze %dma_wait3A_119 : memref<1x512xf32, #tpu.memory_space<hbm>> -> memref<512xf32, #tpu.memory_space<hbm>>
      %dma_wait3A_121 = arith.constant 0 : i32
      %dma_wait3A_122 = tpu.memref_slice %arg5[%add3A, %dma_wait3A_121] : memref<32x512xf32, #tpu.memory_space<hbm>> -> memref<1x512xf32, #tpu.memory_space<hbm>>
      %dma_wait3A_123 = tpu.memref_squeeze %dma_wait3A_122 : memref<1x512xf32, #tpu.memory_space<hbm>> -> memref<512xf32, #tpu.memory_space<hbm>>
      tpu.wait_dma2 semaphore(%run_scoped3A : memref<!tpu.dma_semaphore, #tpu.memory_space<semaphore_mem>>) src(%arg11 : memref<512xf32, #tpu.memory_space<vmem>>) dst(%dma_wait3A_123 : memref<512xf32, #tpu.memory_space<hbm>>)
      tpu.yield
    }) : () -> ()
    return
  }
}

module attributes {stable_mosaic.version = 14 : i64} {
  func.func @_stats_body(%arg0: i32, %arg1: memref<8x128x512xf32, #tpu.memory_space<vmem>>, %arg2: memref<8x128xf32, #tpu.memory_space<vmem>>, %arg3: memref<1x1xf32, #tpu.memory_space<smem>>, %arg4: memref<1x1xf32, #tpu.memory_space<smem>>, %arg5: memref<1x512xf32, #tpu.memory_space<vmem>>) attributes {dimension_semantics = [#tpu.dimension_semantics<arbitrary>], iteration_bounds = array<i64: 8>, scalar_prefetch = 0 : i64, scratch_operands = 1 : i64, tpu.core_type = #tpu.core_type<tc>, window_params = [{transform_indices = @transform_0, window_bounds = array<i64: 8, 128, 512>}, {pipeline_mode = #tpu.pipeline_mode<synchronous>, transform_indices = @transform_1, window_bounds = array<i64: 8, 128>}, {transform_indices = @transform_2, window_bounds = array<i64: 1, 1>}, {transform_indices = @transform_3, window_bounds = array<i64: 1, 1>}]} {
    %eq3A = arith.constant 0 : i32
    %eq3A_0 = arith.cmpi eq, %arg0, %eq3A : i32
    %convert_element_type3A = arith.extui %eq3A_0 : i1 to i32
    %cond3A = arith.constant 0 : i32
    %cond3A_1 = arith.cmpi ne, %convert_element_type3A, %cond3A : i32
    scf.if %cond3A_1 {
      %broadcast_in_dim3A_55 = arith.constant 0.000000e+00 : f32
      %broadcast_in_dim3A_56 = vector.broadcast %broadcast_in_dim3A_55 : f32 to vector<1x512xf32>
      %swap3A_57 = arith.constant 0 : index
      %swap3A_58 = arith.constant 0 : index
      %swap3A_59 = vector.load %arg5[%swap3A_57, %swap3A_58] : memref<1x512xf32, #tpu.memory_space<vmem>>, vector<1x512xf32>
      tpu.vector_store %arg5[%swap3A_57, %swap3A_58], %broadcast_in_dim3A_56 {strides = array<i32>} : memref<1x512xf32, #tpu.memory_space<vmem>>, vector<1x512xf32>,
    } else {
    }
    %get3A = arith.constant 0 : index
    %get3A_2 = arith.constant 0 : index
    %get3A_3 = arith.constant 0 : index
    %get3A_4 = vector.load %arg1[%get3A, %get3A_2, %get3A_3] : memref<8x128x512xf32, #tpu.memory_space<vmem>>, vector<8x128x512xf32>
    %iota3A = tpu.iota {dimensions = array<i32: 2>} : vector<8x128x512xi32>
    %eq3A_5 = arith.constant 0 : i32
    %eq3A_6 = vector.broadcast %eq3A_5 : i32 to vector<8x128x512xi32>
    %eq3A_7 = arith.cmpi eq, %iota3A, %eq3A_6 : vector<8x128x512xi32>
    %eq3A_8 = arith.constant 2 : i32
    %eq3A_9 = vector.broadcast %eq3A_8 : i32 to vector<8x128x512xi32>
    %eq3A_10 = arith.cmpi eq, %iota3A, %eq3A_9 : vector<8x128x512xi32>
    %or3A = arith.ori %eq3A_7, %eq3A_10 : vector<8x128x512xi1>
    %eq3A_11 = arith.constant 3 : i32
    %eq3A_12 = vector.broadcast %eq3A_11 : i32 to vector<8x128x512xi32>
    %eq3A_13 = arith.cmpi eq, %iota3A, %eq3A_12 : vector<8x128x512xi32>
    %or3A_14 = arith.ori %or3A, %eq3A_13 : vector<8x128x512xi1>
    %jit3A = arith.constant -1.000000e+30 : f32
    %broadcast_in_dim3A = vector.broadcast %jit3A : f32 to vector<8x128x512xf32>
    %select_n3A = arith.select %or3A_14, %broadcast_in_dim3A, %get3A_4 : vector<8x128x512xi1>, vector<8x128x512xf32>
    %reduce_max3A = arith.constant dense<0xFF800000> : vector<8x128xf32>
    %reduce_max3A_15 = vector.multi_reduction <maximumf>, %select_n3A, %reduce_max3A [2] : vector<8x128x512xf32> to vector<8x128xf32>
    %broadcast_in_dim3A_16 = vector.shape_cast %reduce_max3A_15 : vector<8x128xf32> to vector<8x128x1xf32>
    %sub3A = vector.broadcast %broadcast_in_dim3A_16 : vector<8x128x1xf32> to vector<8x128x512xf32>
    %sub3A_17 = arith.subf %select_n3A, %sub3A : vector<8x128x512xf32>
    %max3A = arith.constant -8.000000e+01 : f32
    %max3A_18 = vector.broadcast %max3A : f32 to vector<8x128x512xf32>
    %max3A_19 = arith.maximumf %sub3A_17, %max3A_18 : vector<8x128x512xf32>
    %exp3A = math.exp %max3A_19 : vector<8x128x512xf32>
    %reduce_sum3A = arith.constant dense<0.000000e+00> : vector<8x128xf32>
    %reduce_sum3A_20 = vector.multi_reduction <add>, %exp3A, %reduce_sum3A [2] : vector<8x128x512xf32> to vector<8x128xf32>
    %mul3A = arith.mulf %exp3A, %max3A_19 : vector<8x128x512xf32>
    %reduce_sum3A_21 = arith.constant dense<0.000000e+00> : vector<8x128xf32>
    %reduce_sum3A_22 = vector.multi_reduction <add>, %mul3A, %reduce_sum3A_21 [2] : vector<8x128x512xf32> to vector<8x128xf32>
    %log3A = math.log %reduce_sum3A_20 : vector<8x128xf32>
    %div3A = arith.divf %reduce_sum3A_22, %reduce_sum3A_20 : vector<8x128xf32>
    %sub3A_23 = arith.subf %log3A, %div3A : vector<8x128xf32>
    %reduce_sum3A_24 = arith.constant dense<0.000000e+00> : vector<128xf32>
    %reduce_sum3A_25 = vector.multi_reduction <add>, %sub3A_23, %reduce_sum3A_24 [0] : vector<8x128xf32> to vector<128xf32>
    %div3A_26 = arith.constant 8.000000e+00 : f32
    %div3A_27 = vector.broadcast %div3A_26 : f32 to vector<128xf32>
    %div3A_28 = arith.divf %reduce_sum3A_25, %div3A_27 : vector<128xf32>
    %swap3A = arith.index_cast %arg0 : i32 to index
    %swap3A_29 = arith.constant 0 : index
    %swap3A_30 = vector.load %arg2[%swap3A, %swap3A_29] : memref<8x128xf32, #tpu.memory_space<vmem>>, vector<1x128xf32>
    %swap3A_31 = vector.shape_cast %swap3A_30 : vector<1x128xf32> to vector<128xf32>
    %swap3A_32 = vector.shape_cast %div3A_28 : vector<128xf32> to vector<1x128xf32>
    tpu.vector_store %arg2[%swap3A, %swap3A_29], %swap3A_32 {strides = array<i32>} : memref<8x128xf32, #tpu.memory_space<vmem>>, vector<1x128xf32>,
    %div3A_33 = arith.constant 1.000000e+00 : f32
    %div3A_34 = vector.broadcast %div3A_33 : f32 to vector<8x128xf32>
    %div3A_35 = arith.divf %div3A_34, %reduce_sum3A_20 : vector<8x128xf32>
    %get3A_36 = arith.constant 0 : index
    %get3A_37 = arith.constant 0 : index
    %get3A_38 = vector.load %arg5[%get3A_36, %get3A_37] : memref<1x512xf32, #tpu.memory_space<vmem>>, vector<1x512xf32>
    %get3A_39 = vector.shape_cast %get3A_38 : vector<1x512xf32> to vector<512xf32>
    %broadcast_in_dim3A_40 = vector.shape_cast %div3A_35 : vector<8x128xf32> to vector<8x128x1xf32>
    %mul3A_41 = vector.broadcast %broadcast_in_dim3A_40 : vector<8x128x1xf32> to vector<8x128x512xf32>
    %mul3A_42 = arith.mulf %exp3A, %mul3A_41 : vector<8x128x512xf32>
    %reduce_sum3A_43 = arith.constant dense<0.000000e+00> : vector<512xf32>
    %reduce_sum3A_44 = vector.multi_reduction <add>, %mul3A_42, %reduce_sum3A_43 [0, 1] : vector<8x128x512xf32> to vector<512xf32>
    %add3A = arith.addf %get3A_39, %reduce_sum3A_44 : vector<512xf32>
    %swap3A_45 = arith.constant 0 : index
    %swap3A_46 = arith.constant 0 : index
    %swap3A_47 = vector.load %arg5[%swap3A_45, %swap3A_46] : memref<1x512xf32, #tpu.memory_space<vmem>>, vector<1x512xf32>
    %swap3A_48 = vector.shape_cast %swap3A_47 : vector<1x512xf32> to vector<512xf32>
    %swap3A_49 = vector.shape_cast %add3A : vector<512xf32> to vector<1x512xf32>
    tpu.vector_store %arg5[%swap3A_45, %swap3A_46], %swap3A_49 {strides = array<i32>} : memref<1x512xf32, #tpu.memory_space<vmem>>, vector<1x512xf32>,
    %eq3A_50 = arith.constant 7 : i32
    %eq3A_51 = arith.cmpi eq, %arg0, %eq3A_50 : i32
    %convert_element_type3A_52 = arith.extui %eq3A_51 : i1 to i32
    %cond3A_53 = arith.constant 0 : i32
    %cond3A_54 = arith.cmpi ne, %convert_element_type3A_52, %cond3A_53 : i32
    scf.if %cond3A_54 {
      %get3A_55 = arith.constant 0 : index
      %get3A_56 = arith.constant 0 : index
      %get3A_57 = vector.load %arg5[%get3A_55, %get3A_56] : memref<1x512xf32, #tpu.memory_space<vmem>>, vector<1x512xf32>
      %get3A_58 = vector.shape_cast %get3A_57 : vector<1x512xf32> to vector<512xf32>
      %mul3A_59 = arith.constant 1.22070313E-4 : f32
      %mul3A_60 = vector.broadcast %mul3A_59 : f32 to vector<512xf32>
      %mul3A_61 = arith.mulf %get3A_58, %mul3A_60 : vector<512xf32>
      %add3A_62 = arith.constant 1.000000e-07 : f32
      %add3A_63 = vector.broadcast %add3A_62 : f32 to vector<512xf32>
      %add3A_64 = arith.addf %mul3A_61, %add3A_63 : vector<512xf32>
      %log3A_65 = math.log %add3A_64 : vector<512xf32>
      %mul3A_66 = arith.mulf %mul3A_61, %log3A_65 : vector<512xf32>
      %reduce_sum3A_67 = vector.shape_cast %mul3A_66 : vector<512xf32> to vector<1x512xf32>
      %reduce_sum3A_68 = arith.constant dense<0.000000e+00> : vector<1xf32>
      %reduce_sum3A_69 = vector.multi_reduction <add>, %reduce_sum3A_67, %reduce_sum3A_68 [1] : vector<1x512xf32> to vector<1xf32>
      %reduce_sum3A_70 = vector.shape_cast %reduce_sum3A_69 : vector<1xf32> to vector<1x1xf32>
      %reduce_sum3A_71 = vector.extract %reduce_sum3A_70[0, 0] : f32 from vector<1x1xf32>
      %neg3A = arith.constant 0.000000e+00 : f32
      %neg3A_72 = arith.subf %neg3A, %reduce_sum3A_71 : f32
      %exp3A_73 = math.exp %neg3A_72 : f32
      %swap3A_74 = arith.constant 0 : index
      %swap3A_75 = arith.constant 0 : index
      %swap3A_76 = memref.load %arg3[%swap3A_74, %swap3A_75] : memref<1x1xf32, #tpu.memory_space<smem>>
      memref.store %exp3A_73, %arg3[%swap3A_74, %swap3A_75] : memref<1x1xf32, #tpu.memory_space<smem>>
      %sub3A_77 = arith.constant 5.120000e+02 : f32
      %sub3A_78 = arith.subf %sub3A_77, %exp3A_73 : f32
      %div3A_79 = arith.constant 5.120000e+02 : f32
      %div3A_80 = arith.divf %sub3A_78, %div3A_79 : f32
      %div3A_81 = arith.constant 0.00999999977 : f32
      %div3A_82 = arith.divf %div3A_80, %div3A_81 : f32
      %swap3A_83 = arith.constant 0 : index
      %swap3A_84 = arith.constant 0 : index
      %swap3A_85 = memref.load %arg4[%swap3A_83, %swap3A_84] : memref<1x1xf32, #tpu.memory_space<smem>>
      memref.store %div3A_82, %arg4[%swap3A_83, %swap3A_84] : memref<1x1xf32, #tpu.memory_space<smem>>
    } else {
    }
    return
  }
  func.func @transform_0(%arg0: i32) -> (i32, i32, i32) {
    %c0_i32 = arith.constant 0 : i32
    %c0_i32_0 = arith.constant 0 : i32
    %c0_i32_1 = arith.constant 0 : i32
    return %c0_i32, %arg0, %c0_i32_0 : i32, i32, i32
  }
  func.func @transform_1(%arg0: i32) -> (i32, i32) {
    %c0_i32 = arith.constant 0 : i32
    %c0_i32_0 = arith.constant 0 : i32
    %c0_i32_1 = arith.constant 0 : i32
    return %c0_i32, %c0_i32_0 : i32, i32
  }
  func.func @transform_2(%arg0: i32) -> (i32, i32) {
    %c0_i32 = arith.constant 0 : i32
    %c0_i32_0 = arith.constant 0 : i32
    %c0_i32_1 = arith.constant 0 : i32
    return %c0_i32, %c0_i32_0 : i32, i32
  }
  func.func @transform_3(%arg0: i32) -> (i32, i32) {
    %c0_i32 = arith.constant 0 : i32
    %c0_i32_0 = arith.constant 0 : i32
    %c0_i32_1 = arith.constant 0 : i32
    return %c0_i32, %c0_i32_0 : i32, i32
  }
}

module attributes {stable_mosaic.version = 14 : i64} {
  func.func @_cp_body(%arg0: memref<32x512xf32, #tpu.memory_space<vmem>>, %arg1: memref<1x1xf32, #tpu.memory_space<smem>>) attributes {dimension_semantics = [], scalar_prefetch = 0 : i64, scratch_operands = 0 : i64, tpu.core_type = #tpu.core_type<tc>} {
    %get3A = arith.constant 0 : index
    %get3A_0 = arith.constant 0 : index
    %get3A_1 = vector.load %arg0[%get3A, %get3A_0] : memref<32x512xf32, #tpu.memory_space<vmem>>, vector<32x512xf32>
    %reduce_sum3A = arith.constant dense<0.000000e+00> : vector<512xf32>
    %reduce_sum3A_2 = vector.multi_reduction <add>, %get3A_1, %reduce_sum3A [0] : vector<32x512xf32> to vector<512xf32>
    %mul3A = arith.constant 1.22070313E-4 : f32
    %mul3A_3 = vector.broadcast %mul3A : f32 to vector<512xf32>
    %mul3A_4 = arith.mulf %reduce_sum3A_2, %mul3A_3 : vector<512xf32>
    %add3A = arith.constant 1.000000e-07 : f32
    %add3A_5 = vector.broadcast %add3A : f32 to vector<512xf32>
    %add3A_6 = arith.addf %mul3A_4, %add3A_5 : vector<512xf32>
    %log3A = math.log %add3A_6 : vector<512xf32>
    %mul3A_7 = arith.mulf %mul3A_4, %log3A : vector<512xf32>
    %reduce_sum3A_8 = vector.shape_cast %mul3A_7 : vector<512xf32> to vector<1x512xf32>
    %reduce_sum3A_9 = arith.constant dense<0.000000e+00> : vector<1xf32>
    %reduce_sum3A_10 = vector.multi_reduction <add>, %reduce_sum3A_8, %reduce_sum3A_9 [1] : vector<1x512xf32> to vector<1xf32>
    %reduce_sum3A_11 = vector.shape_cast %reduce_sum3A_10 : vector<1xf32> to vector<1x1xf32>
    %reduce_sum3A_12 = vector.extract %reduce_sum3A_11[0, 0] : f32 from vector<1x1xf32>
    %neg3A = arith.constant 0.000000e+00 : f32
    %neg3A_13 = arith.subf %neg3A, %reduce_sum3A_12 : f32
    %exp3A = math.exp %neg3A_13 : f32
    %swap3A = arith.constant 0 : index
    %swap3A_14 = arith.constant 0 : index
    %swap3A_15 = memref.load %arg1[%swap3A, %swap3A_14] : memref<1x1xf32, #tpu.memory_space<smem>>
    memref.store %exp3A, %arg1[%swap3A, %swap3A_14] : memref<1x1xf32, #tpu.memory_space<smem>>
    return
  }
}

</mosaic_0001>

<sc_bundles>
// kernel: _vq.5.cloned.1.call-start
scs
__scs_entry_jumppad:
0x0: {  	(pc) =	sbr.rel $0x88, $3  }
0x1: {  	(tag) =	ssettag $0x0;
	lr =	simm.s32 $0x1  }
0x2: {  	[smem:$0x3FA0] =	sst lr;
	_ =	strace $0xD0000000  }
0x3: {  	_ = 	snop  }
0x4: {  	_ = 	snop  }
0x5: {  	_ = 	snop  }
0x6: {  	_ = 	snop  }
0x7: {  	_ = 	snop  }
__scs_overlays_trampoline_lowered:
0x8: {  	[smem:$0x3FAF] =	sst s0  }
0x9: {  	[smem:$0x3FB0] =	sst s1  }
0xa: {  	[smem:$0x3FB1] =	sst s2  }
0xb: {  	[smem:$0x3FB2] =	sst s3  }
0xc: {  	[smem:$0x3FB3] =	sst s4  }
0xd: {  	[smem:$0x3FB4] =	sst s5  }
0xe: {  	[smem:$0x3FB5] =	sst s6  }
0xf: {  	[smem:$0x3FB6] =	sst s7  }
0x10: {  	[smem:$0x3FB7] =	sst s8  }
0x11: {  	[smem:$0x3FB8] =	sst s9;
	s0 =	simm.s32 @!p0 $0x0  }
0x12: {  	s1 =	sld [smem:$0x3F9E];
	s0 =	simm.s32 @p0 $0x1  }
0x13: {  	[smem:$0x3FB9] =	sst s0;
	s0 =	simm.s32 @!p1 $0x0  }
0x14: {  	s2 =	sld [smem:$0x3F9D];
	s0 =	simm.s32 @p1 $0x1  }
0x15: {  	[smem:$0x3FBA] =	sst s0;
	s0 =	simm.s32 @!p2 $0x0  }
0x16: {  	s3 =	sld [smem:$0x3FDB];
	s0 =	simm.s32 @p2 $0x1  }
0x17: {  	s4 =	simm.s32 $0x1BF5;
	[smem:$0x3FBC] =	sst s0  }
0x18: {  	s0 =	sld [smem:$0x3F9F];
	_ =	swait.ge [sflag:s4], $0x0  }
0x19: {  	s7 =	sld [smem:$0x3FA0]  }
0x1a: {  	s8 =	sadd.s32 $0xFFFFE003, lr  }
0x1b: {  	s9 =	sadd.s32 $0xFFFFFEF7, lr;
	s5 =	simm.s32 $0xFFFFFFFF;
	p2 =	slt.u32 s8, $0xFFFFF086  }
0x1c: {  	p1 =	slt.u32 s9, $0xF7A;
	s5 =	simm.s32 @!p2 $0x0  }
0x1d: {  	s5 =	simm.s32 @p1 $0x1;
	p0 =	seq.s32 s7, s2  }
0x1e: {  	s7 =	smul.u32 @!p0 $0xF7A, s2;
	p2 =	seq.s32 @!p0 s5, $0x0  }
0x1f: {  	s9 =	smul.u32 $0xF7A, s1;
	s8 =	simm.s32 @!p0 $0x1BF5;
	p2 =	por !p2, p0  }
0x20: {  	[sflag:s8] =	ssyncset.s32 @!p0 $0xFFFFF086;
	s6 =	sadd.s32 @!p0 s3, s7;
	s7 =	simm.s32 @!p0 $0x108  }
0x21: {  	s3 =	sadd.s32 s3, s9;
	s6 =	sadd.s32 @!p0 $0x88, s6;
	s7 =	simm.s32 @p2 $0x1082  }
0x22: {  	[simem:s7], [sflag:s8] =	dma.local @!p0 [hbm:s6], $0xF7A  }
0x23: {  	s9 =	sor.u32 $0xD0000000, s2;
	s6 =	simm.s32 $0x108;
	_ =	swait.ge @!p0 [sflag:s8], $0x0  }
0x24: {  	s3 =	sadd.s32 $0x88, s3;
	s6 =	simm.s32 @!p1 $0x1082;
	[sflag:s4] =	ssyncset.s32 $0xFFFFF086  }
0x25: {  	[simem:s6], [sflag:s4] =	dma.local [hbm:s3], $0xF7A  }
0x26: {  	[smem:$0x3FA0] =	sst s1;
	(tag) =	ssettag s2;
	_ =	strace s9  }
0x27: {  	s1 =	sld [smem:$0x3FB0]  }
0x28: {  	s2 =	sld [smem:$0x3FB1]  }
0x29: {  	s4 =	sld [smem:$0x3FB3]  }
0x2a: {  	p0 =	seq.s32 s5, $0x0;
	s5 =	sld [smem:$0x3FB4]  }
0x2b: {  	s6 =	sld [smem:$0x3FB5]  }
0x2c: {  	s7 =	sld [smem:$0x3FB6]  }
0x2d: {  	s3 =	simm.s32 $0x108;
	s8 =	sld [smem:$0x3FB7]  }
0x2e: {  	s3 =	simm.s32 @!p0 $0x1082;
	s9 =	sld [smem:$0x3FB8]  }
0x2f: {  	lr =	sadd.s32 s0, s3;
	s0 =	sld [smem:$0x3FAF]  }
0x30: {  	s3 =	sld [smem:$0x3FB2]  }
0x31: {  	[smem:$0x3FBB] =	sst s10  }
0x32: {  	s10 =	sld [smem:$0x3FB9];
	_ =	sdelay $0x3  }
0x33: {  	p0 =	seq.s32 s10, $0x1;
	s10 =	sld [smem:$0x3FBB];
	_ =	sdelay $0x3  }
0x34: {  	[smem:$0x3FBB] =	sst s10  }
0x35: {  	s10 =	sld [smem:$0x3FBA];
	_ =	sdelay $0x3  }
0x36: {  	p1 =	seq.s32 s10, $0x1;
	s10 =	sld [smem:$0x3FBB];
	_ =	sdelay $0x3  }
0x37: {  	[smem:$0x3FBB] =	sst s10  }
0x38: {  	s10 =	sld [smem:$0x3FBC]  }
0x39: {  	_ = 	snop;
	(pc) =	sbr.ind lr, $3  }
0x3a: {  	_ = 	snop  }
0x3b: {  	_ = 	snop  }
0x3c: {  	p2 =	seq.s32 s10, $0x1;
	s10 =	sld [smem:$0x3FBB]  }
0x3d: {  	_ =	shalt  }
0x3e: {  	_ =	shalt  }
0x3f: {  	_ =	shalt  }
0x40: {  	_ =	shalt  }
0x41: {  	_ =	shalt  }
0x42: {  	_ =	shalt  }
0x43: {  	_ =	shalt  }
0x44: {  	_ =	shalt  }
0x45: {  	_ =	shalt  }
0x46: {  	_ =	shalt  }
0x47: {  	_ =	shalt  }
0x48: {  	_ =	shalt  }
0x49: {  	_ =	shalt  }
0x4a: {  	_ =	shalt  }
0x4b: {  	_ =	shalt  }
0x4c: {  	_ =	shalt  }
0x4d: {  	_ =	shalt  }
0x4e: {  	_ =	shalt  }
0x4f: {  	_ =	shalt  }
0x50: {  	_ =	shalt  }
0x51: {  	_ =	shalt  }
0x52: {  	_ =	shalt  }
0x53: {  	_ =	shalt  }
0x54: {  	_ =	shalt  }
0x55: {  	_ =	shalt  }
0x56: {  	_ =	shalt  }
0x57: {  	_ =	shalt  }
0x58: {  	_ =	shalt  }
0x59: {  	_ =	shalt  }
0x5a: {  	_ =	shalt  }
0x5b: {  	_ =	shalt  }
0x5c: {  	_ =	shalt  }
0x5d: {  	_ =	shalt  }
0x5e: {  	_ =	shalt  }
0x5f: {  	_ =	shalt  }
0x60: {  	_ =	shalt  }
0x61: {  	_ =	shalt  }
0x62: {  	_ =	shalt  }
0x63: {  	_ =	shalt  }
0x64: {  	_ =	shalt  }
0x65: {  	_ =	shalt  }
0x66: {  	_ =	shalt  }
0x67: {  	_ =	shalt  }
0x68: {  	_ =	shalt  }
0x69: {  	_ =	shalt  }
0x6a: {  	_ =	shalt  }
0x6b: {  	_ =	shalt  }
0x6c: {  	_ =	shalt  }
0x6d: {  	_ =	shalt  }
0x6e: {  	_ =	shalt  }
0x6f: {  	_ =	shalt  }
0x70: {  	_ =	shalt  }
0x71: {  	_ =	shalt  }
0x72: {  	_ =	shalt  }
0x73: {  	_ =	shalt  }
0x74: {  	_ =	shalt  }
0x75: {  	_ =	shalt  }
0x76: {  	_ =	shalt  }
0x77: {  	_ =	shalt  }
0x78: {  	_ =	shalt  }
0x79: {  	_ =	shalt  }
0x7a: {  	_ =	shalt  }
0x7b: {  	_ =	shalt  }
0x7c: {  	_ =	shalt  }
0x7d: {  	_ =	shalt  }
0x7e: {  	_ =	shalt  }
0x7f: {  	_ =	shalt  }
0x80: {  	_ =	shalt  }
0x81: {  	_ =	shalt  }
0x82: {  	_ =	shalt  }
0x83: {  	_ =	shalt  }
0x84: {  	_ =	shalt  }
0x85: {  	_ =	shalt  }
0x86: {  	_ =	shalt  }
0x87: {  	_ =	shalt  }
.Lfunc_end0:
.L_simem_size_0:
called_computation_lowered:
.L_overlay_start_0:
0x88: {  	s2 =	sld [smem:$0x3FD9]  }
0x89: {  	s3 =	sld [smem:$0x3FFE];
	_ =	sdelay $0x1  }
0x8a: {  	s1 =	srdreg.scid  }
0x8b: {  	s0 =	sand.u32 $0x1, s1  }
0x8c: {  	s14 =	sshll.u32 s0, $0xA;
	s2 =	sadd.s32 s3, s2  }
0x8d: {  	s2 =	sadd.s32 s2, s14  }
0x8e: {  	[smem:$0x3FC7] =	sst s2  }
0x8f: {  	_ = 	snop  }
0x90: {  	s2 =	sld [smem:$0x3FD0];
	_ =	sdelay $0x2  }
0x91: {  	s4 =	simm.s32 $0xA;
	s5 =	simm.s32 $0x10;
	s15 =	sld [smem:$0x3FC9]  }
0x92: {  	[smem:s5], [sflag:s4] =	dma.local [hbm:s2], $0x1  }
0x93: {  	_ =	swait.eq [sflag:s4], $0x1  }
0x94: {  	[sflag:s4] =	ssyncset.done $0x0  }
0x95: {  	s16 =	sld [smem:$0x10];
	[sflag:s4] =	ssyncadd.s32 $0xFFFFFFFF  }
0x96: {  	s17 =	sld [smem:$0x11];
	(tm) =	ssettm $0x1  }
0x97: {  	s18 =	sld [smem:$0x3FFB];
	_ =	sdelay $0x3  }
0x98: {  	_ =	strace s18  }
0x99: {  	s5 =	sld [smem:$0x3FFC];
	_ =	sdelay $0x3  }
0x9a: {  	_ =	strace s5  }
0x9b: {  	s5 =	sld [smem:$0x3FFD];
	_ =	sdelay $0x3  }
0x9c: {  	_ =	strace s5  }
0x9d: {  	_ =	strace $0x8FFFFFFF  }
0x9e: {  	s19 =	sld [smem:$0x3FDB];
	_ =	sdelay $0x1  }
0x9f: {  	s6 =	simm.s32 $_scs_section_size  }
0xa0: {  	s7 =	simm.s32 $_size__tile_overlayer_lowered;
	s8 =	simm.s32 $_tile_overlayer_lowered  }
0xa1: {  	s22 =	simm.s32 $0x1BFF;
	s21 =	sshll.u32 s8, $0x1;
	s5 =	sadd.s32 s6, s19  }
0xa2: {  	s9 =	simm.s32 $0x0;
	s20 =	sshll.u32 s7, $0x1;
	s7 =	sadd.s32 s21, s5  }
0xa3: {  	[timem:s9], [sflag:s22] =	dma.local [hbm:s7], s20  }
0xa4: {  	_ =	swait.ge [sflag:s22], s20  }
0xa5: {  	s6 =	ssub.s32 $0x0, s20;
	[sflag:s22] =	ssyncset.done $0x0  }
0xa6: {  	[sflag:s22] =	ssyncadd.s32 s6;
	_ =	sdelay $0x1  }
0xa7: {  	s23 =	simm.s32 $0x1B8B  }
0xa8: {  	_ =	swait.ge [sflag:s23], $0x1  }
0xa9: {  	[sflag:s23] =	ssyncset.done $0x0  }
0xaa: {  	s25 =	simm.s32 $0x1B8E;
	s24 =	sld [smem:$0x3FFE];
	[sflag:s23] =	ssyncadd.s32 $0xFFFFFFFF  }
0xab: {  	s26 =	simm.s32 $execute0_lowered;
	[smem:$0x3FD2] =	sst s25  }
0xac: {  	s7 =	sshll.u32 s26, $0x1;
	_ =	strace $0x80000046;
	[dreg:$0x1] =	wrdreg $0xFFFFFFFF  }
0xad: {  	s28 =	simm.s32 $_size_execute0_lowered;
	s5 =	sadd.s32 s5, s7;
	[dreg:$0x0] =	wrdreg $0x0  }
0xae: {  	s7 =	sshll.u32 s28, $0x1;
	[dreg:$0x2] =	wrdreg s5  }
0xaf: {  	[dreg:$0x3] =	wrdreg s7  }
0xb0: {  	[dreg:$0x4] =	wrdreg $0xC0  }
0xb1: {  	_ =	task [dreg:s9], $0x5FFFF  }
0xb2: {  	[dreg:$0x1] =	wrdreg $0xFFFFFFFF  }
0xb3: {  	[dreg:$0x0] =	wrdreg $0x60  }
0xb4: {  	[dreg:$0x2] =	wrdreg s15  }
0xb5: {  	[dreg:$0x3] =	wrdreg s16  }
0xb6: {  	[dreg:$0x4] =	wrdreg s17  }
0xb7: {  	[dreg:$0x5] =	wrdreg s24  }
0xb8: {  	[dreg:$0x6] =	wrdreg $0x9  }
0xb9: {  	_ =	task.clear_ibuf [dreg:s9], $0x7FFFF;
	_ =	strace $0x90000046  }
0xba: {  	s29 =	simm.s32 $0x9;
	_ =	strace $0x80000048  }
0xbb: {  	_ =	swait.ge [sflag:s29], $0x1  }
0xbc: {  	[sflag:s29] =	ssyncadd.s32 $0xFFFFFFFF  }
0xbd: {  	_ =	strace $0x90000048  }
0xbe: {  	_ =	sfence  }
0xbf: {  	s30 =	sld [smem:$0x0];
	_ =	sdelay $0x2  }
0xc0: {  	s31 =	sshll.u32 s1, $0xD;
	s1 =	sshrl.u32 s1, $0x2  }
0xc1: {  	s3 =	sand.u32 $0x4000, s31;
	s1 =	sadd.s32 s1, s30  }
0xc2: {  	s0 =	sor.u32 s3, s0;
	s1 =	sshll.u32 s1, $0x11  }
0xc3: {  	s0 =	sor.u32 s1, s0  }
0xc4: {  	s0 =	sadd.s32 $0x8F2B, s0  }
0xc5: {  	[sflag:s0] =	ssyncadd.remote.s32 $0x1  }
0xc6: {  	_ =	sfence.sel $0xFFFF  }
0xc7: {  	[dreg:$0x0] =	wrdreg $0xFFFFFFFF;
	(pc) =	sbr.abs _section_cstart, $3  }
0xc8: {  	[dreg:$0x1] =	wrdreg $0xFFFFFFFF  }
0xc9: {  	_ =	task.clear_ibuf [dreg:s9], $0x2FFFF;
	_ =	strace $0x9FFFFFFF  }
0xca: {  	(tm) =	ssettm $0x7FFFFFFF  }
0xcb: {  	_ =	shalt  }
tec
execute0_lowered:
.L_overlay_start_1:
0x0: {  	(tag) =	ssettag $0x1  }
0x1: {  	v0 =	vimm.s32 $0xFEDCBA9;
	v2 =	vimm.s32 $0x87654321;
	v3 =	vimm.s32 $0x10FEDCBA  }
0x2: {  	vm1 =	vcmask $0xF08;
	vm0 =	vcmask $0x300;
	v4 =	vimm.s32 $0x98765432  }
0x3: {  	v5 =	vimm.s32 $0x3210FEDC;
	v6 =	vimm.s32 $0xBA987654;
	v7 =	vimm.s32 $0xFEDCBA98  }
0x4: {  	v8 =	vimm.s32 $0x76543210;
	v1 =	vunpack.c.l.s4.s8 v0;
	v0 =	vimm.f32 $0.0e+00  }
0x5: {  	v2 =	vunpack.c.l.s4.s8 v2;
	v3 =	vunpack.c.l.s4.s8 v3;
	v4 =	vunpack.c.l.s4.s8 v4  }
0x6: {  	v5 =	vunpack.c.l.s4.s8 v5;
	v6 =	vunpack.c.l.s4.s8 v6;
	v7 =	vunpack.c.l.s4.s8 v7  }
0x7: {  	v8 =	vunpack.c.l.s4.s8 v8;
	vm2 =	vmor vm0, vm1;
	v1 =	vunpack.c.0.s8.s32 v1  }
0x8: {  	v2 =	vunpack.c.0.s8.s32 v2;
	v3 =	vunpack.c.0.s8.s32 v3;
	v4 =	vunpack.c.0.s8.s32 v4  }
0x9: {  	vm1 =	vcmask $0x704;
	v5 =	vunpack.c.0.s8.s32 v5;
	v6 =	vunpack.c.0.s8.s32 v6  }
0xa: {  	v7 =	vunpack.c.0.s8.s32 v7;
	v2 =	vcombine.low v2, v1;
	v3 =	vcombine.low v4, v3  }
0xb: {  	v4 =	vcombine.low v6, v5;
	v5 =	vunpack.c.0.s8.s32 v8;
	v1 =	vimm.s32 $0x0  }
0xc: {  	v6 =	vand.u32 $0xF, v7;
	v7 =	vimm.s32 $0x1380;
	v8 =	vimm.s32 $0x3380  }
0xd: {  	s0 =	rddreg [dreg:$0x0];
	v7 =	vsel vm0, $0x0, v7;
	v8 =	vsel vm0, $0x2000, v8;
	vm0 =	vcmask $0xB08  }
0xe: {  	s1 =	rddreg [dreg:$0x1];
	v2 =	vand.u32 $0xF, v2;
	v7 =	vsel vm1, $0x80, v7;
	v8 =	vsel vm1, $0x2080, v8  }
0xf: {  	s2 =	rddreg [dreg:$0x2];
	vm1 =	vcmask $0xF0C;
	v7 =	vsel vm0, $0x100, v7;
	v8 =	vsel vm0, $0x2100, v8  }
0x10: {  	s4 =	rddreg [dreg:$0x3];
	s3 =	simm.s32 $0x0;
	vm0 =	vcmask $0x1310;
	v7 =	vsel vm1, $0x180, v7;
	v8 =	vsel vm1, $0x2180, v8  }
0x11: {  	s7 =	stileid.u32;
	s5 =	srdreg.scid;
	s14 =	simm.s32 $0x1;
	vm1 =	vcmask $0x1714;
	v7 =	vsel vm0, $0x200, v7;
	v8 =	vsel vm0, $0x2200, v8  }
0x12: {  	s15 =	simm.s32 $0x10100;
	s16 =	simm.s32 $0x10000;
	s17 =	simm.s32 $0x8000;
	vm0 =	vcmask $0x1B18;
	v7 =	vsel vm1, $0x280, v7;
	v8 =	vsel vm1, $0x2280, v8  }
0x13: {  	s18 =	simm.s32 $0x2;
	s19 =	simm.s32 $0xC000;
	s20 =	simm.s32 $0x3;
	vm1 =	vcmask $0x1F1C;
	v7 =	vsel vm0, $0x300, v7;
	v8 =	vsel vm0, $0x2300, v8  }
0x14: {  	s21 =	simm.s32 $0x4;
	s22 =	simm.s32 $0x5;
	s25 =	simm.s32 $0x0;
	vm0 =	vcmask $0x2320;
	v7 =	vsel vm1, $0x380, v7;
	v8 =	vsel vm1, $0x2380, v8  }
0x15: {  	[smem:$0x7FF] =	sst s3;
	s5 =	sand.u32 $0x1, s5;
	s6 =	sshll.u32 s7, $0x1;
	vm1 =	vcmask $0x2724;
	v7 =	vsel vm0, $0x1000, v7;
	v8 =	vsel vm0, $0x3000, v8  }
0x16: {  	s7 =	sshll.u32 s7, $0x7;
	_ =	strace $0x80000047;
	s8 =	ssub.s32 $0x2, s5;
	vm0 =	vcmask $0x2B28;
	v7 =	vsel vm1, $0x1080, v7;
	v8 =	vsel vm1, $0x3080, v8  }
0x17: {  	s9 =	sor.u32 s5, s6;
	s28 =	sand.u32 $0x600, s7;
	s29 =	sshrl.u32 s8, $0x1;
	vm1 =	vcmask $0x2F2C;
	v7 =	vsel vm0, $0x1100, v7;
	v8 =	vsel vm0, $0x3100, v8  }
0x18: {  	s30 =	sshll.u32 s9, $0xE;
	s4 =	sadd.s32 s28, s4;
	s6 =	sshll.u32 s9, $0x8;
	vm0 =	vcmask $0x3330;
	v7 =	vsel vm1, $0x1180, v7;
	v8 =	vsel vm1, $0x3180, v8  }
.Ltmp0:
0x19: {  	s10 =	sshll.u32 s9, $0x4;
	s11 =	sshll.u32 s9, $0x5;
	vm1 =	vcmask $0x3734;
	v7 =	vsel vm0, $0x1200, v7;
	v8 =	vsel vm0, $0x3200, v8;
	(pc) =	sbr.rel .LBB2_1-.Ltmp0, $4  }
0x1a: {  	s12 =	ssub.s32 s8, s29;
	s5 =	sadd.s32 s0, s30;
	s8 =	sor.u32 $0x40, s6;
	vm0 =	vcmask $0x3B38;
	v9 =	vsel vm1, $0x1280, v7;
	v10 =	vsel vm1, $0x3280, v8  }
0x1b: {  	s13 =	sand.u32 $0x70, s10;
	s9 =	sor.u32 $0x60, s6;
	s10 =	sadd.s32 s2, s11;
	v8 =	vsel vm0, $0x1300, v9;
	v9 =	vsel vm0, $0x3300, v10;
	v10 =	vimm.s32 $0x0  }
0x1c: {  	s7 =	sadd.s32 $0x800, s5;
	s31 =	sadd.s32 s13, s4;
	s12 =	smax.u32 s12, $0x1;
	v3 =	vand.u32 $0xF, v3;
	v4 =	vand.u32 $0xF, v4;
	v10 =	vsel vm2, $0xFFFFFFFF, v10  }
0x1d: {  	s13 =	simm.s32 $0x4000;
	[dreg:$0x5] =	wrdreg s7;
	s11 =	sadd.s32 $0xE00, s31;
	v5 =	vcombine.low v6, v5;
	v6 =	vlaneseq.u32;
	v7 =	vimm.f32 $1.000000000e+00;
	[tilespmem:$0x1FFF0] =	vst v10  }
.LBB2_10:
0x1e: {  	_ =	swait.ge [sflag:s20], $0x4000  }
0x1f: {  	[sflag:s20] =	ssyncset.done $0x0  }
0x20: {  	[sflag:s20] =	ssyncadd.s32 $0xFFFFC000  }
0x21: {  	_ =	swait.ge [sflag:s21], $0x4000  }
0x22: {  	[sflag:s21] =	ssyncset.done $0x0  }
0x23: {  	[sflag:s21] =	ssyncadd.s32 $0xFFFFC000  }
0x24: {  	[hbm4b:s10+s3] =	stream.linear.scatter [tilespmem:s16], [sflag:$0x5], $0x100, $0x38;
	[tilespmem:$0x10300] =	vst v63  }
0x25: {  	s25 =	sadd.s32 $0x1, s25;
	_ =	swait.ge [sflag:s22], $0x100  }
0x26: {  	s2 =	simm.s32 $0x80;
	p0 =	sne.s32 s25, s12;
	[sflag:s22] =	ssyncset.done $0x0  }
.Ltmp1:
0x27: {  	s4 =	simm.s32 $0x400;
	[sflag:s22] =	ssyncadd.s32 $0xFFFFFF00;
	(pc) =	sbr.rel @!p0 .LBB2_11-.Ltmp1, $4  }
0x28: {  	[hbm4b:s11+s2] =	stream.strided.scatter [tilespmem:s15], [sflag:$0x5], $0x200, s4, s2, $0x38;
	[tilespmem:$0x10300] =	vst v63  }
0x29: {  	_ =	swait.ge [sflag:s22], $0x200  }
0x2a: {  	[sflag:s22] =	ssyncset.done $0x0  }
0x2b: {  	[sflag:s22] =	ssyncadd.s32 $0xFFFFFE00  }
.LBB2_1:
0x2c: {  	s2 =	sand.u32 $0x3000, s3;
	s4 =	sand.u32 $0x380, s3  }
0x2d: {  	s26 =	sor.u32 s4, s2  }
0x2e: {  	[tilespmem:s26+$0xCC70] =	vst v0  }
0x2f: {  	[tilespmem:s26+$0x8000] =	vst v0  }
0x30: {  	[tilespmem:s26+$0xC000] =	vst v0  }
0x31: {  	[tilespmem:s26+$0x8010] =	vst v0  }
0x32: {  	[tilespmem:s26+$0xC010] =	vst v0  }
0x33: {  	[tilespmem:s26+$0x8020] =	vst v0  }
0x34: {  	[tilespmem:s26+$0xC020] =	vst v0  }
0x35: {  	[tilespmem:s26+$0x8030] =	vst v0  }
0x36: {  	[tilespmem:s26+$0xC030] =	vst v0  }
0x37: {  	[tilespmem:s26+$0x8040] =	vst v0  }
0x38: {  	[tilespmem:s26+$0xC040] =	vst v0  }
0x39: {  	[tilespmem:s26+$0x8050] =	vst v0  }
0x3a: {  	[tilespmem:s26+$0xC050] =	vst v0  }
0x3b: {  	[tilespmem:s26+$0x8060] =	vst v0  }
0x3c: {  	[tilespmem:s26+$0xC060] =	vst v0  }
0x3d: {  	[tilespmem:s26+$0x8070] =	vst v0  }
0x3e: {  	[tilespmem:s26+$0xC070] =	vst v0  }
0x3f: {  	[tilespmem:s26+$0x8400] =	vst v0  }
0x40: {  	[tilespmem:s26+$0xC400] =	vst v0  }
0x41: {  	[tilespmem:s26+$0x8410] =	vst v0  }
0x42: {  	[tilespmem:s26+$0xC410] =	vst v0  }
0x43: {  	[tilespmem:s26+$0x8420] =	vst v0  }
0x44: {  	[tilespmem:s26+$0xC420] =	vst v0  }
0x45: {  	[tilespmem:s26+$0x8430] =	vst v0  }
0x46: {  	[tilespmem:s26+$0xC430] =	vst v0  }
0x47: {  	[tilespmem:s26+$0x8440] =	vst v0  }
0x48: {  	[tilespmem:s26+$0xC440] =	vst v0  }
0x49: {  	[tilespmem:s26+$0x8450] =	vst v0  }
0x4a: {  	[tilespmem:s26+$0xC450] =	vst v0  }
0x4b: {  	[tilespmem:s26+$0x8460] =	vst v0  }
0x4c: {  	[tilespmem:s26+$0xC460] =	vst v0  }
0x4d: {  	[tilespmem:s26+$0x8470] =	vst v0  }
0x4e: {  	[tilespmem:s26+$0xC470] =	vst v0  }
0x4f: {  	[tilespmem:s26+$0x8800] =	vst v0  }
0x50: {  	[tilespmem:s26+$0xC800] =	vst v0  }
0x51: {  	[tilespmem:s26+$0x8810] =	vst v0  }
0x52: {  	[tilespmem:s26+$0xC810] =	vst v0  }
0x53: {  	[tilespmem:s26+$0x8820] =	vst v0  }
0x54: {  	[tilespmem:s26+$0xC820] =	vst v0  }
0x55: {  	[tilespmem:s26+$0x8830] =	vst v0  }
0x56: {  	[tilespmem:s26+$0xC830] =	vst v0  }
0x57: {  	[tilespmem:s26+$0x8840] =	vst v0  }
0x58: {  	[tilespmem:s26+$0xC840] =	vst v0  }
0x59: {  	[tilespmem:s26+$0x8850] =	vst v0  }
0x5a: {  	[tilespmem:s26+$0xC850] =	vst v0  }
0x5b: {  	[tilespmem:s26+$0x8860] =	vst v0  }
0x5c: {  	[tilespmem:s26+$0xC860] =	vst v0  }
0x5d: {  	[tilespmem:s26+$0x8870] =	vst v0  }
0x5e: {  	[tilespmem:s26+$0xC870] =	vst v0  }
0x5f: {  	[tilespmem:s26+$0x8C00] =	vst v0  }
0x60: {  	[tilespmem:s26+$0xCC00] =	vst v0  }
0x61: {  	[tilespmem:s26+$0x8C10] =	vst v0  }
0x62: {  	[tilespmem:s26+$0xCC10] =	vst v0  }
0x63: {  	[tilespmem:s26+$0x8C20] =	vst v0  }
0x64: {  	[tilespmem:s26+$0xCC20] =	vst v0  }
0x65: {  	[tilespmem:s26+$0x8C30] =	vst v0  }
0x66: {  	[tilespmem:s26+$0xCC30] =	vst v0  }
0x67: {  	[tilespmem:s26+$0x8C40] =	vst v0  }
0x68: {  	[tilespmem:s26+$0xCC40] =	vst v0  }
0x69: {  	[tilespmem:s26+$0x8C50] =	vst v0  }
0x6a: {  	[tilespmem:s26+$0xCC50] =	vst v0  }
0x6b: {  	s31 =	simm.s32 $0x200;
	s2 =	simm.s32 $0x80;
	[tilespmem:s26+$0x8C60] =	vst v0  }
0x6c: {  	s23 =	sand.u32 $0x3000, s31;
	s4 =	simm.s32 $0x400;
	s24 =	sand.u32 $0x380, s2;
	[tilespmem:s26+$0xCC60] =	vst v0  }
.LBB2_2:
0x6d: {  	p0 =	sne.s32 s4, $0x3E00;
	[tilespmem:s26+$0x8C70] =	vst v0;
	s26 =	sor.u32 s24, s23  }
0x6e: {  	[tilespmem:s26+$0xCC70] =	vst v0  }
0x6f: {  	[tilespmem:s26+$0x8000] =	vst v0  }
0x70: {  	[tilespmem:s26+$0xC000] =	vst v0  }
0x71: {  	[tilespmem:s26+$0x8010] =	vst v0  }
0x72: {  	[tilespmem:s26+$0xC010] =	vst v0  }
0x73: {  	[tilespmem:s26+$0x8020] =	vst v0  }
0x74: {  	[tilespmem:s26+$0xC020] =	vst v0  }
0x75: {  	[tilespmem:s26+$0x8030] =	vst v0  }
0x76: {  	[tilespmem:s26+$0xC030] =	vst v0  }
0x77: {  	[tilespmem:s26+$0x8040] =	vst v0  }
0x78: {  	[tilespmem:s26+$0xC040] =	vst v0  }
0x79: {  	[tilespmem:s26+$0x8050] =	vst v0  }
0x7a: {  	[tilespmem:s26+$0xC050] =	vst v0  }
0x7b: {  	[tilespmem:s26+$0x8060] =	vst v0  }
0x7c: {  	[tilespmem:s26+$0xC060] =	vst v0  }
0x7d: {  	[tilespmem:s26+$0x8070] =	vst v0  }
0x7e: {  	[tilespmem:s26+$0xC070] =	vst v0  }
0x7f: {  	[tilespmem:s26+$0x8400] =	vst v0  }
0x80: {  	[tilespmem:s26+$0xC400] =	vst v0  }
0x81: {  	[tilespmem:s26+$0x8410] =	vst v0  }
0x82: {  	[tilespmem:s26+$0xC410] =	vst v0  }
0x83: {  	[tilespmem:s26+$0x8420] =	vst v0  }
0x84: {  	[tilespmem:s26+$0xC420] =	vst v0  }
0x85: {  	[tilespmem:s26+$0x8430] =	vst v0  }
0x86: {  	[tilespmem:s26+$0xC430] =	vst v0  }
0x87: {  	[tilespmem:s26+$0x8440] =	vst v0  }
0x88: {  	[tilespmem:s26+$0xC440] =	vst v0  }
0x89: {  	[tilespmem:s26+$0x8450] =	vst v0  }
0x8a: {  	[tilespmem:s26+$0xC450] =	vst v0  }
0x8b: {  	[tilespmem:s26+$0x8460] =	vst v0  }
0x8c: {  	[tilespmem:s26+$0xC460] =	vst v0  }
0x8d: {  	[tilespmem:s26+$0x8470] =	vst v0  }
0x8e: {  	[tilespmem:s26+$0xC470] =	vst v0  }
0x8f: {  	[tilespmem:s26+$0x8800] =	vst v0  }
0x90: {  	[tilespmem:s26+$0xC800] =	vst v0  }
0x91: {  	[tilespmem:s26+$0x8810] =	vst v0  }
0x92: {  	[tilespmem:s26+$0xC810] =	vst v0  }
0x93: {  	[tilespmem:s26+$0x8820] =	vst v0  }
0x94: {  	[tilespmem:s26+$0xC820] =	vst v0  }
0x95: {  	[tilespmem:s26+$0x8830] =	vst v0  }
0x96: {  	[tilespmem:s26+$0xC830] =	vst v0  }
0x97: {  	[tilespmem:s26+$0x8840] =	vst v0  }
0x98: {  	[tilespmem:s26+$0xC840] =	vst v0  }
0x99: {  	[tilespmem:s26+$0x8850] =	vst v0  }
0x9a: {  	[tilespmem:s26+$0xC850] =	vst v0  }
0x9b: {  	[tilespmem:s26+$0x8860] =	vst v0  }
0x9c: {  	[tilespmem:s26+$0xC860] =	vst v0  }
0x9d: {  	[tilespmem:s26+$0x8870] =	vst v0  }
0x9e: {  	[tilespmem:s26+$0xC870] =	vst v0  }
0x9f: {  	[tilespmem:s26+$0x8C00] =	vst v0  }
0xa0: {  	[tilespmem:s26+$0xCC00] =	vst v0  }
0xa1: {  	[tilespmem:s26+$0x8C10] =	vst v0  }
0xa2: {  	[tilespmem:s26+$0xCC10] =	vst v0  }
0xa3: {  	[tilespmem:s26+$0x8C20] =	vst v0  }
0xa4: {  	[tilespmem:s26+$0xCC20] =	vst v0  }
0xa5: {  	[tilespmem:s26+$0x8C30] =	vst v0  }
0xa6: {  	[tilespmem:s26+$0xCC30] =	vst v0  }
0xa7: {  	[tilespmem:s26+$0x8C40] =	vst v0  }
.Ltmp2:
0xa8: {  	[tilespmem:s26+$0xCC40] =	vst v0;
	(pc) =	sbr.rel @p0 .LBB2_2-.Ltmp2, $4  }
0xa9: {  	[tilespmem:s26+$0x8C50] =	vst v0  }
0xaa: {  	[tilespmem:s26+$0xCC50] =	vst v0  }
0xab: {  	s2 =	sadd.s32 $0x80, s2;
	[tilespmem:s26+$0x8C60] =	vst v0  }
0xac: {  	s23 =	sand.u32 $0x3000, s4;
	s4 =	sadd.s32 $0x200, s4;
	s24 =	sand.u32 $0x380, s2;
	[tilespmem:s26+$0xCC60] =	vst v0  }
0xad: {  	s2 =	sor.u32 s24, s23;
	[tilespmem:s26+$0x8C70] =	vst v0  }
0xae: {  	[tilespmem:s2+$0xCC70] =	vst v0  }
0xaf: {  	[tilespmem:s2+$0x8000] =	vst v0  }
0xb0: {  	[tilespmem:s2+$0xC000] =	vst v0  }
0xb1: {  	[tilespmem:s2+$0x8010] =	vst v0  }
0xb2: {  	[tilespmem:s2+$0xC010] =	vst v0  }
0xb3: {  	[tilespmem:s2+$0x8020] =	vst v0  }
0xb4: {  	[tilespmem:s2+$0xC020] =	vst v0  }
0xb5: {  	[tilespmem:s2+$0x8030] =	vst v0  }
0xb6: {  	[tilespmem:s2+$0xC030] =	vst v0  }
0xb7: {  	[tilespmem:s2+$0x8040] =	vst v0  }
0xb8: {  	[tilespmem:s2+$0xC040] =	vst v0  }
0xb9: {  	[tilespmem:s2+$0x8050] =	vst v0  }
0xba: {  	[tilespmem:s2+$0xC050] =	vst v0  }
0xbb: {  	[tilespmem:s2+$0x8060] =	vst v0  }
0xbc: {  	[tilespmem:s2+$0xC060] =	vst v0  }
0xbd: {  	[tilespmem:s2+$0x8070] =	vst v0  }
0xbe: {  	[tilespmem:s2+$0xC070] =	vst v0  }
0xbf: {  	[tilespmem:s2+$0x8400] =	vst v0  }
0xc0: {  	[tilespmem:s2+$0xC400] =	vst v0  }
0xc1: {  	[tilespmem:s2+$0x8410] =	vst v0  }
0xc2: {  	[tilespmem:s2+$0xC410] =	vst v0  }
0xc3: {  	[tilespmem:s2+$0x8420] =	vst v0  }
0xc4: {  	[tilespmem:s2+$0xC420] =	vst v0  }
0xc5: {  	[tilespmem:s2+$0x8430] =	vst v0  }
0xc6: {  	[tilespmem:s2+$0xC430] =	vst v0  }
0xc7: {  	[tilespmem:s2+$0x8440] =	vst v0  }
0xc8: {  	[tilespmem:s2+$0xC440] =	vst v0  }
0xc9: {  	[tilespmem:s2+$0x8450] =	vst v0  }
0xca: {  	[tilespmem:s2+$0xC450] =	vst v0  }
0xcb: {  	[tilespmem:s2+$0x8460] =	vst v0  }
0xcc: {  	[tilespmem:s2+$0xC460] =	vst v0  }
0xcd: {  	[tilespmem:s2+$0x8470] =	vst v0  }
0xce: {  	[tilespmem:s2+$0xC470] =	vst v0  }
0xcf: {  	[tilespmem:s2+$0x8800] =	vst v0  }
0xd0: {  	[tilespmem:s2+$0xC800] =	vst v0  }
0xd1: {  	[tilespmem:s2+$0x8810] =	vst v0  }
0xd2: {  	[tilespmem:s2+$0xC810] =	vst v0  }
0xd3: {  	[tilespmem:s2+$0x8820] =	vst v0  }
0xd4: {  	[tilespmem:s2+$0xC820] =	vst v0  }
0xd5: {  	[tilespmem:s2+$0x8830] =	vst v0  }
0xd6: {  	[tilespmem:s2+$0xC830] =	vst v0  }
0xd7: {  	[tilespmem:s2+$0x8840] =	vst v0  }
0xd8: {  	[tilespmem:s2+$0xC840] =	vst v0  }
0xd9: {  	[tilespmem:s2+$0x8850] =	vst v0  }
0xda: {  	[tilespmem:s2+$0xC850] =	vst v0  }
0xdb: {  	[tilespmem:s2+$0x8860] =	vst v0  }
0xdc: {  	[tilespmem:s2+$0xC860] =	vst v0  }
0xdd: {  	[tilespmem:s2+$0x8870] =	vst v0  }
0xde: {  	[tilespmem:s2+$0xC870] =	vst v0  }
0xdf: {  	[tilespmem:s2+$0x8C00] =	vst v0  }
0xe0: {  	[tilespmem:s2+$0xCC00] =	vst v0  }
0xe1: {  	[tilespmem:s2+$0x8C10] =	vst v0  }
0xe2: {  	[tilespmem:s2+$0xCC10] =	vst v0  }
0xe3: {  	[tilespmem:s2+$0x8C20] =	vst v0  }
0xe4: {  	[tilespmem:s2+$0xCC20] =	vst v0  }
0xe5: {  	[tilespmem:s2+$0x8C30] =	vst v0  }
0xe6: {  	[tilespmem:s2+$0xCC30] =	vst v0  }
0xe7: {  	[tilespmem:s2+$0x8C40] =	vst v0  }
0xe8: {  	[tilespmem:s2+$0xCC40] =	vst v0  }
0xe9: {  	[tilespmem:s2+$0x8C50] =	vst v0  }
0xea: {  	[tilespmem:s2+$0xCC50] =	vst v0  }
0xeb: {  	[tilespmem:s2+$0x8C60] =	vst v0  }
0xec: {  	[tilespmem:s2+$0xCC60] =	vst v0  }
0xed: {  	[tilespmem:s2+$0x8C70] =	vst v0  }
0xee: {  	[tilespmem:$0x10100] =	vst v0  }
0xef: {  	[tilespmem:$0x10110] =	vst v0  }
0xf0: {  	[tilespmem:$0x10120] =	vst v0  }
0xf1: {  	[tilespmem:$0x10130] =	vst v0  }
0xf2: {  	[tilespmem:$0x10140] =	vst v0  }
0xf3: {  	[tilespmem:$0x10150] =	vst v0  }
0xf4: {  	[tilespmem:$0x10160] =	vst v0  }
0xf5: {  	[tilespmem:$0x10170] =	vst v0  }
0xf6: {  	[tilespmem:$0x10180] =	vst v0  }
0xf7: {  	[tilespmem:$0x10190] =	vst v0  }
0xf8: {  	[tilespmem:$0x101A0] =	vst v0  }
0xf9: {  	[tilespmem:$0x101B0] =	vst v0  }
0xfa: {  	[tilespmem:$0x101C0] =	vst v0  }
0xfb: {  	[tilespmem:$0x101D0] =	vst v0  }
0xfc: {  	[tilespmem:$0x101E0] =	vst v0  }
0xfd: {  	[tilespmem:$0x101F0] =	vst v0  }
0xfe: {  	[tilespmem:$0x10200] =	vst v0  }
0xff: {  	[tilespmem:$0x10210] =	vst v0  }
0x100: {  	[tilespmem:$0x10220] =	vst v0  }
0x101: {  	[tilespmem:$0x10230] =	vst v0  }
0x102: {  	[tilespmem:$0x10240] =	vst v0  }
0x103: {  	[tilespmem:$0x10250] =	vst v0  }
0x104: {  	[tilespmem:$0x10260] =	vst v0  }
0x105: {  	[tilespmem:$0x10270] =	vst v0  }
0x106: {  	[tilespmem:$0x10280] =	vst v0  }
0x107: {  	[tilespmem:$0x10290] =	vst v0  }
0x108: {  	[tilespmem:$0x102A0] =	vst v0  }
0x109: {  	[tilespmem:$0x102B0] =	vst v0  }
0x10a: {  	[tilespmem:$0x102C0] =	vst v0  }
0x10b: {  	[tilespmem:$0x102D0] =	vst v0  }
0x10c: {  	[tilespmem:$0x102E0] =	vst v0  }
0x10d: {  	s26 =	simm.s32 $0x0;
	[tilespmem:$0x102F0] =	vst v0  }
0x10e: {  	[tilespmem:s26], [sflag:$0x1] =	stream.linear.gather [hbm4b:s5+s26], $0x4000, $0x38;
	[tilespmem:$0x10300] =	vst v63  }
0x10f: {  	s31 =	rddreg [dreg:$0x5];
	s28 =	simm.s32 $0x20;
	s29 =	simm.s32 $0x0  }
0x110: {  	[tilespmem:s13], [sflag:$0x2] =	stream.linear.gather [hbm4b:s31+s26], $0x4000, $0x38;
	[tilespmem:$0x10300] =	vst v63  }
.LBB2_4:
0x111: {  	_ =	swait.ge [sflag:s14], $0x4000  }
0x112: {  	[sflag:s14] =	ssyncset.done $0x0  }
0x113: {  	p0 =	seq.s32 s29, $0x0;
	[sflag:s14] =	ssyncadd.s32 $0xFFFFC000  }
0x114: {  	_ =	swait.ge @!p0 [sflag:s20], $0x4000  }
0x115: {  	[sflag:s20] =	ssyncset.done @!p0 $0x0  }
0x116: {  	s30 =	sshll.u32 s29, $0x6;
	[sflag:s20] =	ssyncadd.s32 @!p0 $0xFFFFC000  }
0x117: {  	v10 =	vld @!p0 [tilespmem:s30+$0xFFC0];
	_ =	sdelay $0x4  }
0x118: {  	v11 =	vshll.u32 @!p0 v10, $0x3  }
0x119: {  	v10 =	vand.u32 @!p0 $0x7F, v10;
	v11 =	vand.u32 @!p0 $0xFFFFFC00, v11  }
0x11a: {  	v10 =	vor.u32 @!p0 v10, v11  }
0x11b: {  	v10 =	vadd.s32 @!p0 v8, v10;
	_ =	sdelay $0x4  }
0x11c: {  	[tilespmem:v10+s17+$0x0] =	vst.idx.msk @!p0 $0xffff, v0  }
0x11d: {  	v10 =	vld @!p0 [tilespmem:s30+$0xFFD0];
	_ =	sdelay $0x4  }
0x11e: {  	v11 =	vshll.u32 @!p0 v10, $0x3  }
0x11f: {  	v10 =	vand.u32 @!p0 $0x7F, v10;
	v11 =	vand.u32 @!p0 $0xFFFFFC00, v11  }
0x120: {  	v10 =	vor.u32 @!p0 v10, v11  }
0x121: {  	v10 =	vadd.s32 @!p0 v9, v10;
	_ =	sdelay $0x3  }
0x122: {  	s2 =	simm.s32 $0x0  }
0x123: {  	s4 =	simm.s32 $0x0;
	s23 =	simm.s32 $0x0;
	s31 =	sadd.s32 s6, s30;
	[tilespmem:v10+s17+$0x0] =	vst.idx.msk @!p0 $0xffff, v0  }
.LBB2_5:
0x124: {  	s24 =	sand.u32 $0x3000, s2;
	s7 =	sand.u32 $0x380, s4  }
0x125: {  	s24 =	sor.u32 s7, s24  }
0x126: {  	v10 =	vld [tilespmem:s24+$0x0]  }
0x127: {  	v11 =	vld [tilespmem:s24+$0x10]  }
0x128: {  	v12 =	vld [tilespmem:s24+$0x20]  }
0x129: {  	v13 =	vld [tilespmem:s24+$0x30]  }
0x12a: {  	v14 =	vld [tilespmem:s24+$0x40]  }
0x12b: {  	v22 =	vimm.s32 $0x0;
	v23 =	vimm.s32 $0x0;
	v15 =	vld [tilespmem:s24+$0x50]  }
0x12c: {  	v24 =	vimm.s32 $0x0;
	v50 =	vimm.s32 $0x0;
	v18 =	vld [tilespmem:s24+$0x400];
	v10 =	vsel vm2, $0xFF61B1E6, v10  }
0x12d: {  	v51 =	vimm.s32 $0x0;
	v25 =	vimm.s32 $0x0;
	v45 =	vld [tilespmem:s24+$0x800];
	vm0 =	vgt.f32 v10, $-3.000000010e+38  }
0x12e: {  	v55 =	vimm.s32 $0x0;
	v56 =	vimm.s32 $0x0;
	v46 =	vld [tilespmem:s24+$0xC00];
	v10 =	vnsel vm0, $0xFF61B1E6, v10  }
0x12f: {  	v59 =	vimm.s32 $0x0;
	v26 =	vimm.s32 $0x0;
	v16 =	vld [tilespmem:s24+$0x60];
	vm0 =	vgt.f32 v11, v10  }
0x130: {  	v63 =	vimm.s32 $0x0;
	v29 =	vimm.s32 $0x0;
	v47 =	vld [tilespmem:s24+$0x810];
	v10 =	vsel vm0, v11, v10  }
0x131: {  	v31 =	vimm.s32 $0x0;
	v34 =	vimm.s32 $0x0;
	v11 =	vld [tilespmem:s24+$0x410];
	vm2 =	vgt.f32 v12, v10  }
0x132: {  	v19 =	vld [tilespmem:s24+$0x420];
	vm14 =	vgt.f32 v18, $-3.000000010e+38;
	vm12 =	vgt.f32 v45, $-3.000000010e+38;
	v10 =	vsel vm2, v12, v10  }
0x133: {  	v49 =	vld [tilespmem:s24+$0x820];
	vm13 =	vgt.f32 v46, $-3.000000010e+38;
	v18 =	vnsel vm14, $0xFF61B1E6, v18;
	vm3 =	vgt.f32 v13, v10  }
0x134: {  	v17 =	vld [tilespmem:s24+$0x70];
	v53 =	vnsel vm12, $0xFF61B1E6, v45;
	v25 =	vsel vm13, $0xFFFFFFFF, v25;
	v10 =	vsel vm3, v13, v10  }
0x135: {  	v42 =	vld [tilespmem:s24+$0x430];
	v38 =	vsel vm14, $0x8, v1;
	vm15 =	vgt.f32 v47, v53;
	vm1 =	vgt.f32 v14, v10  }
0x136: {  	v20 =	vld [tilespmem:s24+$0x440];
	v60 =	vsel vm0, $0x1, v1;
	vm5 =	vgt.f32 v11, v18;
	v10 =	vsel vm1, v14, v10  }
0x137: {  	v43 =	vld [tilespmem:s24+$0x450];
	v11 =	vsel vm5, v11, v18;
	v18 =	vsel vm15, v47, v53;
	vm4 =	vgt.f32 v15, v10  }
0x138: {  	v48 =	vld [tilespmem:s24+$0xC10];
	vm6 =	vgt.f32 v19, v11;
	vm0 =	vgt.f32 v49, v18;
	v10 =	vsel vm4, v15, v10  }
0x139: {  	v21 =	vld [tilespmem:s24+$0x460];
	[tilespmem:$0x1FF70] =	vst v25;
	v22 =	vsel vm4, $0xFFFFFFFF, v22;
	v25 =	vsel vm6, $0xFFFFFFFF, v55;
	vm4 =	vgt.f32 v16, v10  }
0x13a: {  	v52 =	vld [tilespmem:s24+$0xC20];
	v15 =	vnsel vm13, $0xFF61B1E6, v46;
	v11 =	vsel vm6, v19, v11;
	v10 =	vsel vm4, v16, v10  }
0x13b: {  	v44 =	vld [tilespmem:s24+$0x470];
	v26 =	vsel vm0, $0xFFFFFFFF, v26;
	v23 =	vsel vm4, $0xFFFFFFFF, v23;
	vm4 =	vgt.f32 v17, v10  }
0x13c: {  	v54 =	vld [tilespmem:s24+$0x830];
	v18 =	vsel vm0, v49, v18;
	[tilespmem:$0x1FF30] =	vst v25;
	v25 =	vsel vm15, $0xFFFFFFFF, v56;
	v24 =	vsel vm4, $0xFFFFFFFF, v24  }
0x13d: {  	v57 =	vld [tilespmem:s24+$0xC30];
	[tilespmem:$0x1FF40] =	vst v23;
	v10 =	vsel vm4, v17, v10;
	v17 =	vsel vm5, $0xFFFFFFFF, v50;
	vm4 =	vgt.f32 v48, v15  }
0x13e: {  	v58 =	vld [tilespmem:s24+$0x840];
	[tilespmem:$0x1FF10] =	vst v17;
	v17 =	vsel vm12, $0xFFFFFFFF, v51;
	v23 =	vsel vm4, $0xFFFFFFFF, v59;
	v15 =	vsel vm4, v48, v15  }
0x13f: {  	v61 =	vld [tilespmem:s24+$0xC40];
	vm12 =	vgt.f32 v42, v11;
	[tilespmem:$0x1FF90] =	vst v23;
	v23 =	vsel vm2, $0x2, v60;
	vm0 =	vgt.f32 v52, v15  }
0x140: {  	v62 =	vld [tilespmem:s24+$0x850];
	[tilespmem:$0x1FFA0] =	vst v26;
	v11 =	vsel vm12, v42, v11;
	v26 =	vsel vm0, $0xFFFFFFFF, v63;
	v23 =	vsel vm3, $0x3, v23  }
0x141: {  	v39 =	vld [tilespmem:$0x1FF10];
	v15 =	vsel vm0, v52, v15;
	vm0 =	vgt.f32 v54, v18;
	vm6 =	vgt.f32 v20, v11  }
0x142: {  	v28 =	vld [tilespmem:s24+$0xC50];
	v12 =	vsel vm0, $0xFFFFFFFF, v29;
	vm2 =	vgt.f32 v57, v15;
	v23 =	vsel vm1, $0x4, v23  }
0x143: {  	v30 =	vld [tilespmem:s24+$0x860];
	v18 =	vsel vm0, v54, v18;
	v11 =	vsel vm6, v20, v11;
	v15 =	vsel vm2, v57, v15  }
0x144: {  	v32 =	vld [tilespmem:s24+$0xC60];
	[tilespmem:$0x1FFB0] =	vst v26;
	v26 =	vsel vm2, $0xFFFFFFFF, v31;
	vm15 =	vgt.f32 v58, v18;
	vm0 =	vgt.f32 v61, v15  }
0x145: {  	v33 =	vld [tilespmem:s24+$0x870];
	[tilespmem:$0x1FFD0] =	vst v26;
	v18 =	vsel vm15, v58, v18;
	v26 =	vsel vm0, $0xFFFFFFFF, v34;
	v15 =	vsel vm0, v61, v15  }
0x146: {  	v35 =	vld [tilespmem:s24+$0xC70];
	vm0 =	vgt.f32 v43, v11;
	vm13 =	vgt.f32 v62, v18;
	vm1 =	vnez.u8 v39  }
0x147: {  	[tilespmem:$0x1FF20] =	vst v22;
	vm11 =	vgt.f32 v28, v15;
	v11 =	vsel vm0, v43, v11;
	v36 =	vsel vm13, v62, v18  }
0x148: {  	v40 =	vld [tilespmem:$0x1FF20];
	v14 =	vsel vm1, $0x9, v38;
	v15 =	vsel vm11, v28, v15;
	vm2 =	vgt.f32 v21, v11  }
0x149: {  	v41 =	vld [tilespmem:$0x1FF30];
	vm10 =	vgt.f32 v30, v36;
	vm9 =	vgt.f32 v32, v15;
	v11 =	vsel vm2, v21, v11  }
0x14a: {  	[tilespmem:$0x1FFC0] =	vst v12;
	v12 =	vsel vm10, v30, v36;
	v37 =	vsel vm9, v32, v15;
	vm5 =	vgt.f32 v44, v11  }
0x14b: {  	vm8 =	vgt.f32 v33, v12;
	vm7 =	vgt.f32 v35, v37;
	v11 =	vsel vm5, v44, v11  }
0x14c: {  	v12 =	vsel vm8, v33, v12;
	v13 =	vsel vm7, v35, v37;
	vm4 =	vgt.f32 v11, v10  }
0x14d: {  	vm1 =	vnez.u8 v40;
	vm3 =	vgt.f32 v13, v12;
	v10 =	vsel vm4, v11, v10  }
0x14e: {  	v11 =	vsel vm3, v13, v12;
	v12 =	vsel vm1, $0x5, v23;
	vm1 =	vnez.u8 v41  }
0x14f: {  	[tilespmem:$0x1FF50] =	vst v24;
	v42 =	vld [tilespmem:$0x1FF40];
	v13 =	vsel vm1, $0xA, v14;
	vm1 =	vgt.f32 v11, v10  }
0x150: {  	[tilespmem:$0x1FF60] =	vst v17;
	v10 =	vsel vm1, v11, v10;
	v11 =	vld [tilespmem:$0x1FF50]  }
0x151: {  	v45 =	vld [tilespmem:$0x1FF60]  }
0x152: {  	v46 =	vld [tilespmem:$0x1FF70];
	[tilespmem:$0x1FF80] =	vst v25  }
0x153: {  	v47 =	vld [tilespmem:$0x1FF80]  }
0x154: {  	v48 =	vld [tilespmem:$0x1FF90];
	vm14 =	vnez.u8 v42;
	v13 =	vsel vm12, $0xB, v13  }
0x155: {  	v49 =	vld [tilespmem:$0x1FFA0];
	v12 =	vsel vm14, $0x6, v12;
	v43 =	vsel vm6, $0xC, v13;
	vm12 =	vnez.u8 v11  }
0x156: {  	v50 =	vld [tilespmem:$0x1FFB0];
	v11 =	vsel vm12, $0x7, v12;
	v12 =	vsel vm0, $0xD, v43;
	vm0 =	vnez.u8 v45  }
0x157: {  	v53 =	vld [tilespmem:$0x1FFC0];
	v14 =	vsel vm0, $0x10, v1;
	vm0 =	vnez.u8 v46  }
0x158: {  	v54 =	vld [tilespmem:$0x1FFD0];
	[tilespmem:$0x1FFE0] =	vst v26;
	v15 =	vsel vm0, $0x18, v1;
	vm0 =	vnez.u8 v47  }
0x159: {  	v55 =	vld [tilespmem:$0x1FFE0];
	v44 =	vperm.xlane v10, v2;
	v14 =	vsel vm0, $0x11, v14;
	vm0 =	vnez.u8 v48  }
0x15a: {  	v15 =	vsel vm0, $0x19, v15;
	vm0 =	vnez.u8 v49  }
0x15b: {  	v13 =	vmax.f32 v10, v44;
	v14 =	vsel vm0, $0x12, v14;
	vm0 =	vnez.u8 v50  }
0x15c: {  	v51 =	vperm.xlane v13, v3;
	v15 =	vsel vm0, $0x1A, v15;
	vm0 =	vnez.u8 v53  }
0x15d: {  	v14 =	vsel vm0, $0x13, v14;
	vm0 =	vnez.u8 v54  }
0x15e: {  	v13 =	vmax.f32 v13, v51;
	v15 =	vsel vm0, $0x1B, v15;
	vm0 =	vnez.u8 v55  }
0x15f: {  	v12 =	vsel vm2, $0xE, v12;
	v14 =	vsel vm15, $0x14, v14;
	v15 =	vsel vm0, $0x1C, v15  }
0x160: {  	v16 =	vperm.xlane v13, v4;
	v14 =	vsel vm13, $0x15, v14;
	v15 =	vsel vm11, $0x1D, v15  }
0x161: {  	v12 =	vsel vm5, $0xF, v12;
	v14 =	vsel vm10, $0x16, v14;
	v15 =	vsel vm9, $0x1E, v15  }
0x162: {  	v13 =	vmax.f32 v13, v16;
	v14 =	vsel vm8, $0x17, v14;
	v15 =	vsel vm7, $0x1F, v15  }
0x163: {  	v11 =	vsel vm4, v12, v11;
	v57 =	vperm.xlane v13, v5;
	v56 =	vsel vm3, v15, v14  }
0x164: {  	v11 =	vsel vm1, v56, v11  }
0x165: {  	v58 =	vmax.f32 v13, v57;
	v11 =	vshll.u32 v11, $0x4  }
0x166: {  	vm0 =	veq.f32 v10, v58;
	v10 =	vor.u32 v6, v11  }
0x167: {  	v10 =	vnsel vm0, $0x100000, v10  }
0x168: {  	v11 =	vperm.xlane v10, v2;
	_ =	sdelay $0x1  }
0x169: {  	vm0 =	vlt.s32 v10, v11  }
0x16a: {  	v10 =	vsel vm0, v10, v11  }
0x16b: {  	v11 =	vperm.xlane v10, v3;
	_ =	sdelay $0x1  }
0x16c: {  	vm0 =	vlt.s32 v10, v11  }
0x16d: {  	v10 =	vsel vm0, v10, v11  }
0x16e: {  	v11 =	vperm.xlane v10, v4;
	_ =	sdelay $0x1  }
0x16f: {  	vm0 =	vlt.s32 v10, v11  }
0x170: {  	v10 =	vsel vm0, v10, v11  }
0x171: {  	v11 =	vperm.xlane v10, v5;
	_ =	sdelay $0x1  }
0x172: {  	vm0 =	vlt.s32 v10, v11  }
0x173: {  	v10 =	vsel vm0, v10, v11;
	_ =	sdelay $0x3  }
0x174: {  	v11 =	vmov s23  }
0x175: {  	v60 =	vshll.u32 v11, $0x9;
	v61 =	vshll.u32 v10, $0x3;
	v59 =	vld.idx.msk [tilespmem:v10+s15+$0x0], $0xffff  }
0x176: {  	v11 =	vshll.u32 v11, $0x7;
	v13 =	vand.u32 $0x3000, v60;
	v14 =	vand.u32 $0xFFFFFC00, v61  }
0x177: {  	s24 =	sadd.s32 s23, s26;
	v11 =	vand.u32 $0x380, v11;
	v13 =	vadd.s32 v13, v14  }
0x178: {  	v63 =	vmov s24;
	v62 =	vand.u32 $0x7F, v10;
	v11 =	vor.u32 v11, v13  }
0x179: {  	p1 =	sne.s32 s23, $0x1F;
	v52 =	vld [tilespmem:$0x1FFF0];
	v11 =	vor.u32 v62, v11  }
.Ltmp3:
0x17a: {  	v12 =	vadd.f32 $1.000000000e+00, v59;
	(pc) =	sbr.rel @p1 .LBB2_5-.Ltmp3, $4  }
0x17b: {  	_ = 	snop  }
0x17c: {  	[tilespmem:v10+s15+$0x0] =	vst.idx.msk $0x1, v12  }
0x17d: {  	[tilespmem:v63+s16+$0x0] =	vst.idx.msk $0x1, v10  }
0x17e: {  	s4 =	sadd.s32 $0x80, s4;
	s2 =	sadd.s32 $0x200, s2;
	vm2 =	vnez.u8 v52;
	s23 =	sadd.s32 $0x1, s23;
	[tilespmem:v11+s17+$0x0] =	vst.idx.msk $0x1, v7  }
0x17f: {  	s2 =	sshll.u32 s31, $0x6  }
0x180: {  	p1 =	seq.s32 s29, $0x3;
	s2 =	sadd.s32 s1, s2  }
0x181: {  	[hbm4b:s2+s3] =	stream.linear.scatter [tilespmem:s17], [sflag:$0x3], $0x4000, $0x38;
	[tilespmem:$0x10300] =	vst v63  }
0x182: {  	s2 =	sadd.s32 @!p1 s30, s8  }
0x183: {  	s2 =	sshll.u32 @!p1 s2, $0x6  }
0x184: {  	s4 =	simm.s32 @!p1 $0x0;
	s2 =	sadd.s32 @!p1 s0, s2  }
0x185: {  	[tilespmem:s4], [sflag:$0x1] =	stream.linear.gather @!p1 [hbm4b:s2+s4], $0x4000, $0x38;
	[tilespmem:$0x10300] =	vst v63  }
0x186: {  	_ =	swait.ge [sflag:s18], $0x4000  }
0x187: {  	[sflag:s18] =	ssyncset.done $0x0  }
0x188: {  	[sflag:s18] =	ssyncadd.s32 $0xFFFFC000  }
0x189: {  	_ =	swait.ge @!p0 [sflag:s21], $0x4000  }
0x18a: {  	[sflag:s21] =	ssyncset.done @!p0 $0x0  }
0x18b: {  	[sflag:s21] =	ssyncadd.s32 @!p0 $0xFFFFC000  }
0x18c: {  	v10 =	vld @!p0 [tilespmem:s30+$0xFFE0];
	_ =	sdelay $0x4  }
0x18d: {  	v11 =	vshll.u32 @!p0 v10, $0x3  }
0x18e: {  	v10 =	vand.u32 @!p0 $0x7F, v10;
	v11 =	vand.u32 @!p0 $0xFFFFFC00, v11  }
0x18f: {  	v10 =	vor.u32 @!p0 v10, v11  }
0x190: {  	v10 =	vadd.s32 @!p0 v8, v10;
	_ =	sdelay $0x4  }
0x191: {  	[tilespmem:v10+s19+$0x0] =	vst.idx.msk @!p0 $0xffff, v0  }
0x192: {  	v10 =	vld @!p0 [tilespmem:s30+$0xFFF0];
	_ =	sdelay $0x4  }
0x193: {  	v11 =	vshll.u32 @!p0 v10, $0x3  }
0x194: {  	v10 =	vand.u32 @!p0 $0x7F, v10;
	v11 =	vand.u32 @!p0 $0xFFFFFC00, v11  }
0x195: {  	v10 =	vor.u32 @!p0 v10, v11  }
0x196: {  	v10 =	vadd.s32 @!p0 v9, v10;
	_ =	sdelay $0x3  }
0x197: {  	s24 =	sadd.s32 s30, s6;
	s23 =	simm.s32 $0x0  }
0x198: {  	s31 =	sadd.s32 $0x20, s24;
	s2 =	simm.s32 $0x0;
	s4 =	simm.s32 $0x0;
	[tilespmem:v10+s19+$0x0] =	vst.idx.msk @!p0 $0xffff, v0  }
.LBB2_7:
0x199: {  	s7 =	sand.u32 $0x3000, s2;
	s24 =	sand.u32 $0x380, s4  }
0x19a: {  	s24 =	sor.u32 s24, s7  }
0x19b: {  	v10 =	vld [tilespmem:s24+$0x4000]  }
0x19c: {  	v11 =	vld [tilespmem:s24+$0x4010]  }
0x19d: {  	v12 =	vld [tilespmem:s24+$0x4020]  }
0x19e: {  	v13 =	vld [tilespmem:s24+$0x4030]  }
0x19f: {  	v14 =	vld [tilespmem:s24+$0x4040]  }
0x1a0: {  	v22 =	vimm.s32 $0x0;
	v23 =	vimm.s32 $0x0;
	v15 =	vld [tilespmem:s24+$0x4050]  }
0x1a1: {  	v24 =	vimm.s32 $0x0;
	v50 =	vimm.s32 $0x0;
	v18 =	vld [tilespmem:s24+$0x4400];
	v10 =	vsel vm2, $0xFF61B1E6, v10  }
0x1a2: {  	v51 =	vimm.s32 $0x0;
	v25 =	vimm.s32 $0x0;
	v45 =	vld [tilespmem:s24+$0x4800];
	vm0 =	vgt.f32 v10, $-3.000000010e+38  }
0x1a3: {  	v55 =	vimm.s32 $0x0;
	v56 =	vimm.s32 $0x0;
	v46 =	vld [tilespmem:s24+$0x4C00];
	v10 =	vnsel vm0, $0xFF61B1E6, v10  }
0x1a4: {  	v59 =	vimm.s32 $0x0;
	v26 =	vimm.s32 $0x0;
	v16 =	vld [tilespmem:s24+$0x4060];
	vm0 =	vgt.f32 v11, v10  }
0x1a5: {  	v63 =	vimm.s32 $0x0;
	v29 =	vimm.s32 $0x0;
	v47 =	vld [tilespmem:s24+$0x4810];
	v10 =	vsel vm0, v11, v10  }
0x1a6: {  	v31 =	vimm.s32 $0x0;
	v34 =	vimm.s32 $0x0;
	v11 =	vld [tilespmem:s24+$0x4410];
	vm2 =	vgt.f32 v12, v10  }
0x1a7: {  	v19 =	vld [tilespmem:s24+$0x4420];
	vm14 =	vgt.f32 v18, $-3.000000010e+38;
	vm12 =	vgt.f32 v45, $-3.000000010e+38;
	v10 =	vsel vm2, v12, v10  }
0x1a8: {  	v49 =	vld [tilespmem:s24+$0x4820];
	vm13 =	vgt.f32 v46, $-3.000000010e+38;
	v18 =	vnsel vm14, $0xFF61B1E6, v18;
	vm3 =	vgt.f32 v13, v10  }
0x1a9: {  	v17 =	vld [tilespmem:s24+$0x4070];
	v53 =	vnsel vm12, $0xFF61B1E6, v45;
	v25 =	vsel vm13, $0xFFFFFFFF, v25;
	v10 =	vsel vm3, v13, v10  }
0x1aa: {  	v42 =	vld [tilespmem:s24+$0x4430];
	v38 =	vsel vm14, $0x8, v1;
	vm15 =	vgt.f32 v47, v53;
	vm1 =	vgt.f32 v14, v10  }
0x1ab: {  	v20 =	vld [tilespmem:s24+$0x4440];
	v60 =	vsel vm0, $0x1, v1;
	vm5 =	vgt.f32 v11, v18;
	v10 =	vsel vm1, v14, v10  }
0x1ac: {  	v43 =	vld [tilespmem:s24+$0x4450];
	v11 =	vsel vm5, v11, v18;
	v18 =	vsel vm15, v47, v53;
	vm4 =	vgt.f32 v15, v10  }
0x1ad: {  	v48 =	vld [tilespmem:s24+$0x4C10];
	vm6 =	vgt.f32 v19, v11;
	vm0 =	vgt.f32 v49, v18;
	v10 =	vsel vm4, v15, v10  }
0x1ae: {  	v21 =	vld [tilespmem:s24+$0x4460];
	[tilespmem:$0x1FE90] =	vst v25;
	v22 =	vsel vm4, $0xFFFFFFFF, v22;
	v25 =	vsel vm6, $0xFFFFFFFF, v55;
	vm4 =	vgt.f32 v16, v10  }
0x1af: {  	v52 =	vld [tilespmem:s24+$0x4C20];
	v15 =	vnsel vm13, $0xFF61B1E6, v46;
	v11 =	vsel vm6, v19, v11;
	v10 =	vsel vm4, v16, v10  }
0x1b0: {  	v44 =	vld [tilespmem:s24+$0x4470];
	v26 =	vsel vm0, $0xFFFFFFFF, v26;
	v23 =	vsel vm4, $0xFFFFFFFF, v23;
	vm4 =	vgt.f32 v17, v10  }
0x1b1: {  	v54 =	vld [tilespmem:s24+$0x4830];
	v18 =	vsel vm0, v49, v18;
	[tilespmem:$0x1FE50] =	vst v25;
	v25 =	vsel vm15, $0xFFFFFFFF, v56;
	v24 =	vsel vm4, $0xFFFFFFFF, v24  }
0x1b2: {  	v57 =	vld [tilespmem:s24+$0x4C30];
	[tilespmem:$0x1FE60] =	vst v23;
	v10 =	vsel vm4, v17, v10;
	v17 =	vsel vm5, $0xFFFFFFFF, v50;
	vm4 =	vgt.f32 v48, v15  }
0x1b3: {  	v58 =	vld [tilespmem:s24+$0x4840];
	[tilespmem:$0x1FE30] =	vst v17;
	v17 =	vsel vm12, $0xFFFFFFFF, v51;
	v23 =	vsel vm4, $0xFFFFFFFF, v59;
	v15 =	vsel vm4, v48, v15  }
0x1b4: {  	v61 =	vld [tilespmem:s24+$0x4C40];
	vm12 =	vgt.f32 v42, v11;
	[tilespmem:$0x1FEB0] =	vst v23;
	v23 =	vsel vm2, $0x2, v60;
	vm0 =	vgt.f32 v52, v15  }
0x1b5: {  	v62 =	vld [tilespmem:s24+$0x4850];
	[tilespmem:$0x1FEC0] =	vst v26;
	v11 =	vsel vm12, v42, v11;
	v26 =	vsel vm0, $0xFFFFFFFF, v63;
	v23 =	vsel vm3, $0x3, v23  }
0x1b6: {  	v28 =	vld [tilespmem:s24+$0x4C50];
	v15 =	vsel vm0, v52, v15;
	vm0 =	vgt.f32 v54, v18;
	vm6 =	vgt.f32 v20, v11  }
0x1b7: {  	v39 =	vld [tilespmem:$0x1FE30];
	v12 =	vsel vm0, $0xFFFFFFFF, v29;
	vm2 =	vgt.f32 v57, v15;
	v18 =	vsel vm0, v54, v18  }
0x1b8: {  	v30 =	vld [tilespmem:s24+$0x4860];
	[tilespmem:$0x1FED0] =	vst v26;
	v23 =	vsel vm1, $0x4, v23;
	v26 =	vsel vm2, $0xFFFFFFFF, v31;
	vm0 =	vgt.f32 v58, v18  }
0x1b9: {  	v32 =	vld [tilespmem:s24+$0x4C60];
	v11 =	vsel vm6, v20, v11;
	v15 =	vsel vm2, v57, v15;
	[tilespmem:$0x1FEF0] =	vst v26;
	v26 =	vsel vm0, $0xFFFFFFFF, v34  }
0x1ba: {  	v33 =	vld [tilespmem:s24+$0x4870];
	vm15 =	vgt.f32 v61, v15;
	v18 =	vsel vm0, v58, v18;
	vm0 =	vgt.f32 v43, v11  }
0x1bb: {  	v35 =	vld [tilespmem:s24+$0x4C70];
	v15 =	vsel vm15, v61, v15;
	vm13 =	vgt.f32 v62, v18;
	v11 =	vsel vm0, v43, v11  }
0x1bc: {  	[tilespmem:$0x1FE40] =	vst v22;
	vm1 =	vnez.u8 v39;
	vm11 =	vgt.f32 v28, v15;
	v36 =	vsel vm13, v62, v18  }
0x1bd: {  	v40 =	vld [tilespmem:$0x1FE40];
	vm2 =	vgt.f32 v21, v11;
	v14 =	vsel vm1, $0x9, v38;
	v15 =	vsel vm11, v28, v15  }
0x1be: {  	v41 =	vld [tilespmem:$0x1FE50];
	vm10 =	vgt.f32 v30, v36;
	v11 =	vsel vm2, v21, v11;
	vm9 =	vgt.f32 v32, v15  }
0x1bf: {  	[tilespmem:$0x1FEE0] =	vst v12;
	v12 =	vsel vm10, v30, v36;
	vm5 =	vgt.f32 v44, v11;
	v37 =	vsel vm9, v32, v15  }
0x1c0: {  	vm8 =	vgt.f32 v33, v12;
	v11 =	vsel vm5, v44, v11;
	vm7 =	vgt.f32 v35, v37  }
0x1c1: {  	v12 =	vsel vm8, v33, v12;
	vm4 =	vgt.f32 v11, v10;
	v13 =	vsel vm7, v35, v37  }
0x1c2: {  	vm1 =	vnez.u8 v40;
	v10 =	vsel vm4, v11, v10;
	vm3 =	vgt.f32 v13, v12  }
0x1c3: {  	v11 =	vsel vm3, v13, v12;
	v12 =	vsel vm1, $0x5, v23;
	vm1 =	vnez.u8 v41  }
0x1c4: {  	[tilespmem:$0x1FE70] =	vst v24;
	v42 =	vld [tilespmem:$0x1FE60];
	v13 =	vsel vm1, $0xA, v14;
	vm1 =	vgt.f32 v11, v10  }
0x1c5: {  	[tilespmem:$0x1FE80] =	vst v17;
	v10 =	vsel vm1, v11, v10;
	v11 =	vld [tilespmem:$0x1FE70]  }
0x1c6: {  	v45 =	vld [tilespmem:$0x1FE80]  }
0x1c7: {  	v46 =	vld [tilespmem:$0x1FE90];
	[tilespmem:$0x1FEA0] =	vst v25  }
0x1c8: {  	v47 =	vld [tilespmem:$0x1FEA0]  }
0x1c9: {  	v48 =	vld [tilespmem:$0x1FEB0];
	vm14 =	vnez.u8 v42;
	v13 =	vsel vm12, $0xB, v13  }
0x1ca: {  	v49 =	vld [tilespmem:$0x1FEC0];
	v12 =	vsel vm14, $0x6, v12;
	v43 =	vsel vm6, $0xC, v13;
	vm12 =	vnez.u8 v11  }
0x1cb: {  	v50 =	vld [tilespmem:$0x1FED0];
	v11 =	vsel vm12, $0x7, v12;
	v12 =	vsel vm0, $0xD, v43;
	vm0 =	vnez.u8 v45  }
0x1cc: {  	v53 =	vld [tilespmem:$0x1FEE0];
	v14 =	vsel vm0, $0x10, v1;
	vm0 =	vnez.u8 v46  }
0x1cd: {  	[tilespmem:$0x1FF00] =	vst v26;
	v54 =	vld [tilespmem:$0x1FEF0];
	v15 =	vsel vm0, $0x18, v1;
	vm0 =	vnez.u8 v47  }
0x1ce: {  	v55 =	vld [tilespmem:$0x1FF00];
	v44 =	vperm.xlane v10, v2;
	v14 =	vsel vm0, $0x11, v14;
	vm0 =	vnez.u8 v48  }
0x1cf: {  	v15 =	vsel vm0, $0x19, v15;
	vm0 =	vnez.u8 v49  }
0x1d0: {  	v13 =	vmax.f32 v10, v44;
	v14 =	vsel vm0, $0x12, v14;
	vm0 =	vnez.u8 v50  }
0x1d1: {  	v51 =	vperm.xlane v13, v3;
	v15 =	vsel vm0, $0x1A, v15;
	vm0 =	vnez.u8 v53  }
0x1d2: {  	v14 =	vsel vm0, $0x13, v14;
	vm0 =	vnez.u8 v54  }
0x1d3: {  	v13 =	vmax.f32 v13, v51;
	v15 =	vsel vm0, $0x1B, v15;
	vm0 =	vnez.u8 v55  }
0x1d4: {  	v12 =	vsel vm2, $0xE, v12;
	v14 =	vsel vm0, $0x14, v14;
	v15 =	vsel vm15, $0x1C, v15  }
0x1d5: {  	v16 =	vperm.xlane v13, v4;
	v14 =	vsel vm13, $0x15, v14;
	v15 =	vsel vm11, $0x1D, v15  }
0x1d6: {  	v12 =	vsel vm5, $0xF, v12;
	v14 =	vsel vm10, $0x16, v14;
	v15 =	vsel vm9, $0x1E, v15  }
0x1d7: {  	v13 =	vmax.f32 v13, v16;
	v14 =	vsel vm8, $0x17, v14;
	v15 =	vsel vm7, $0x1F, v15  }
0x1d8: {  	v11 =	vsel vm4, v12, v11;
	v57 =	vperm.xlane v13, v5;
	v56 =	vsel vm3, v15, v14  }
0x1d9: {  	v11 =	vsel vm1, v56, v11  }
0x1da: {  	v58 =	vmax.f32 v13, v57;
	v11 =	vshll.u32 v11, $0x4  }
0x1db: {  	vm0 =	veq.f32 v10, v58;
	v10 =	vor.u32 v6, v11  }
0x1dc: {  	v10 =	vnsel vm0, $0x100000, v10  }
0x1dd: {  	v11 =	vperm.xlane v10, v2;
	_ =	sdelay $0x1  }
0x1de: {  	vm0 =	vlt.s32 v10, v11  }
0x1df: {  	v10 =	vsel vm0, v10, v11  }
0x1e0: {  	v11 =	vperm.xlane v10, v3;
	_ =	sdelay $0x1  }
0x1e1: {  	vm0 =	vlt.s32 v10, v11  }
0x1e2: {  	v10 =	vsel vm0, v10, v11  }
0x1e3: {  	v11 =	vperm.xlane v10, v4;
	_ =	sdelay $0x1  }
0x1e4: {  	vm0 =	vlt.s32 v10, v11  }
0x1e5: {  	v10 =	vsel vm0, v10, v11  }
0x1e6: {  	v11 =	vperm.xlane v10, v5;
	_ =	sdelay $0x1  }
0x1e7: {  	vm0 =	vlt.s32 v10, v11  }
0x1e8: {  	v10 =	vsel vm0, v10, v11;
	_ =	sdelay $0x3  }
0x1e9: {  	v11 =	vmov s23  }
0x1ea: {  	v60 =	vshll.u32 v11, $0x9;
	v61 =	vshll.u32 v10, $0x3;
	v59 =	vld.idx.msk [tilespmem:v10+s15+$0x0], $0xffff  }
0x1eb: {  	v11 =	vshll.u32 v11, $0x7;
	v13 =	vand.u32 $0x3000, v60;
	v14 =	vand.u32 $0xFFFFFC00, v61  }
0x1ec: {  	s24 =	sadd.s32 s23, s28;
	v11 =	vand.u32 $0x380, v11;
	v13 =	vadd.s32 v13, v14  }
0x1ed: {  	v63 =	vmov s24;
	v62 =	vand.u32 $0x7F, v10;
	v11 =	vor.u32 v11, v13  }
0x1ee: {  	p0 =	sne.s32 s23, $0x1F;
	v52 =	vld [tilespmem:$0x1FFF0];
	v11 =	vor.u32 v62, v11  }
.Ltmp4:
0x1ef: {  	v12 =	vadd.f32 $1.000000000e+00, v59;
	(pc) =	sbr.rel @p0 .LBB2_7-.Ltmp4, $4  }
0x1f0: {  	_ = 	snop  }
0x1f1: {  	[tilespmem:v10+s15+$0x0] =	vst.idx.msk $0x1, v12  }
0x1f2: {  	[tilespmem:v63+s16+$0x0] =	vst.idx.msk $0x1, v10  }
0x1f3: {  	s4 =	sadd.s32 $0x80, s4;
	s2 =	sadd.s32 $0x200, s2;
	vm2 =	vnez.u8 v52;
	s23 =	sadd.s32 $0x1, s23;
	[tilespmem:v11+s19+$0x0] =	vst.idx.msk $0x1, v7  }
.Ltmp5:
0x1f4: {  	(pc) =	sbr.rel @p1 .LBB2_10-.Ltmp5, $4  }
0x1f5: {  	_ = 	snop  }
0x1f6: {  	s2 =	sshll.u32 s31, $0x6  }
0x1f7: {  	s2 =	sadd.s32 s1, s2  }
0x1f8: {  	[hbm4b:s2+s3] =	stream.linear.scatter [tilespmem:s19], [sflag:$0x4], $0x4000, $0x38;
	[tilespmem:$0x10300] =	vst v63  }
.Ltmp6:
0x1f9: {  	(pc) =	sbr.rel .LBB2_4-.Ltmp6, $4  }
0x1fa: {  	s2 =	sadd.s32 s30, s9  }
0x1fb: {  	s29 =	sadd.s32 $0x1, s29;
	s2 =	sshll.u32 s2, $0x6  }
0x1fc: {  	s26 =	sadd.s32 $0x40, s26;
	s28 =	sadd.s32 $0x40, s28;
	s2 =	sadd.s32 s0, s2  }
0x1fd: {  	[tilespmem:s13], [sflag:$0x2] =	stream.linear.gather [hbm4b:s2+s3], $0x4000, $0x38;
	[tilespmem:$0x10300] =	vst v63  }
.LBB2_11:
0x1fe: {  	_ =	sfence.sel $0x180000  }
0x1ff: {  	[bflag:$0x0] =	sbarrier.arrive $0xFFFF  }
0x200: {  	_ =	strace $0x90000047  }
0x201: {  	s0 =	stileid.u32;
	[bflag:$0x2] =	sbarrier.arrive $0xFFFF  }
0x202: {  	p0 =	sne.s32 s0, $0x0;
	s0 =	rddreg [dreg:$0x4]  }
0x203: {  	s0 =	sadd.s32 @!p0 $0x100000, s0  }
0x204: {  	[sflag:s0] =	ssyncadd.tile.s32 @!p0 $0x1;
	_ =	shalt  }
.Lfunc_end2:
_tile_overlayer_lowered:
.L_overlay_start_2:
0x205: {  	(tag) =	ssettag $0x2  }
0x206: {  	s0 =	rddreg [dreg:$0x0];
	s2 =	stileid.u32  }
0x207: {  	s1 =	rddreg [dreg:$0x1];
	p0 =	sne.s32 s2, $0x0  }
0x208: {  	s3 =	rddreg [dreg:$0x2];
	[bflag:$0x3] =	sbarrier.arrive $0xFFFF;
	s2 =	simm.s32 @!p0 $0x1C05  }
0x209: {  	[timem:s3], [sflag:s2] =	dma.local @!p0 [hbm:s0], s1  }
0x20a: {  	s0 =	simm.s32 @!p0 $0x5  }
0x20b: {  	_ =	swait.ge @!p0 [sflag:s0], s1  }
0x20c: {  	s1 =	ssub.s32 @!p0 $0x0, s1;
	[sflag:s0] =	ssyncset.done @!p0 $0x0  }
0x20d: {  	[sflag:s0] =	ssyncadd.s32 @!p0 s1  }
0x20e: {  	[bflag:$0x3] =	sbarrier.arrive $0xFFFF  }
0x20f: {  	_ =	shalt  }

</sc_bundles>
